<compile_context>
chip_gen: v7x
topology: tpu7x:2x2x1
jax: 0.10.2.dev20260603
libtpu: 0.0.44.dev20260713+nightly
codegen_flags: <defaults>
</compile_context>

<pallas_src>
import functools

import jax
import jax.numpy as jnp
import numpy as np
from jax import lax
from jax.scipy.special import erf
from jax.experimental import pallas as pl
from jax.experimental.pallas import tpu as pltpu
from jax.experimental.pallas import tpu_sc as plsc

N = 2048
DIM_U = 16
TEMPERATURE = 0.3
LOG2 = 0.69314718056
P = N * (N - 1) // 2

NC, NS, L = 2, 16, 16
NW = NC * NS
ROWS_W = N // NW
WIN = N + 8
PPAD = ((P - N) // 8) * 8 + WIN

_MESH = plsc.VectorSubcoreMesh(core_axis_name="c", subcore_axis_name="s")


@functools.partial(
    pl.kernel,
    mesh=_MESH,
    compiler_params=pltpu.CompilerParams(needs_layout_passes=False),
    out_type=jax.ShapeDtypeStruct((N, N), jnp.float32),
    scratch_types=[
        pltpu.VMEM((N,), jnp.int32),
        pltpu.VMEM((4 * WIN,), jnp.float32),
        pltpu.VMEM((4 * N,), jnp.float32),
        pltpu.SemaphoreType.DMA,
        pltpu.SemaphoreType.DMA,
    ],
)
def _noise_gather(noise_hbm, rank_hbm, nm_hbm, rank_v, win_v, row_v,
                  sem_in, sem_out):
    wid = lax.axis_index("s") * NC + lax.axis_index("c")
    base = pl.multiple_of(wid * ROWS_W, ROWS_W)

    pltpu.sync_copy(rank_hbm, rank_v)

    def win_start(i):
        v = i * (N - 1) - ((i * (i - 1)) >> 1) - i - 1
        w8 = jnp.maximum(jnp.minimum(v & -8, P - WIN), 0)
        w8 = pl.multiple_of(w8, 8)
        return w8, v - w8

    RING = 4

    def wslice(b):
        return win_v.at[pl.ds(pl.multiple_of(b * WIN, 8), WIN)]

    def rslice(b):
        return row_v.at[pl.ds(pl.multiple_of(b * N, 8), N)]

    for k in range(RING - 1):
        w8k, _ = win_start(base + k)
        pltpu.async_copy(noise_hbm.at[pl.ds(w8k, WIN)], wslice(k), sem_in)

    def row_body(r, carry):
        i = base + r
        slot = lax.rem(r, RING)
        pslot = lax.rem(r + RING - 1, RING)
        w8n, _ = win_start(i + RING - 1)
        pltpu.async_copy(noise_hbm.at[pl.ds(w8n, WIN)], wslice(pslot), sem_in)
        pltpu.make_async_copy(
            noise_hbm.at[pl.ds(w8n, WIN)], wslice(slot), sem_in).wait()

        @pl.when(r >= RING)
        def _():
            pltpu.make_async_copy(rslice(slot), nm_hbm.at[i - RING],
                                  sem_out).wait()

        _, dlt = win_start(i)
        win = wslice(slot)
        row = rslice(slot)

        @plsc.parallel_loop(0, N, L, unroll=8)
        def _gather(o):
            off = jnp.maximum(rank_v[pl.ds(o, L)] + dlt, 0)
            row[pl.ds(o, L)] = plsc.load_gather(win, [off])
        pltpu.async_copy(row, nm_hbm.at[i], sem_out)
        return carry

    lax.fori_loop(0, ROWS_W, row_body, 0)
    for k in range(RING - 1):
        pltpu.make_async_copy(
            noise_hbm.at[pl.ds(0, WIN)], wslice(k), sem_in).wait()
    for k in range(RING):
        pltpu.make_async_copy(rslice(k), nm_hbm.at[base + k], sem_out).wait()


BR, BC = 256, 512


def _dense_body(s_ref, y_ref, u_ref, nm_ref, rk_ref, o_ref):
    inv2s = s_ref[0, 0]
    y = y_ref[...]
    u = u_ref[...]
    ny = jnp.sum(y * y, axis=1, keepdims=True)
    nu = jnp.sum(u * u, axis=1)[None, :]
    dot = lax.dot_general(y, u, (((1,), (1,)), ((), ())),
                          preferred_element_type=jnp.float32)
    d2 = jnp.maximum(ny + nu - 2.0 * dot, 0.0)
    logp = d2 * inv2s
    logits = logp - jnp.log(jnp.maximum(1.0 - jnp.exp(logp), 1e-20))
    g = jax.nn.sigmoid((logits + nm_ref[...]) / TEMPERATURE)
    ii = pl.program_id(0) * BR + lax.broadcasted_iota(jnp.int32, (BR, BC), 0)
    o_ref[...] = jnp.where(ii < rk_ref[0:1, :], g, 0.0)


_dense = pl.pallas_call(
    _dense_body,
    grid=(N // BR, N // BC),
    in_specs=[
        pl.BlockSpec(memory_space=pltpu.SMEM),
        pl.BlockSpec((BR, DIM_U), lambda i, j: (i, 0)),
        pl.BlockSpec((BC, DIM_U), lambda i, j: (j, 0)),
        pl.BlockSpec((BR, BC), lambda i, j: (i, j)),
        pl.BlockSpec((8, BC), lambda i, j: (0, j)),
    ],
    out_specs=pl.BlockSpec((BR, BC), lambda i, j: (i, j)),
    out_shape=jax.ShapeDtypeStruct((N, N), jnp.float32),
)


CH = 16


@functools.partial(
    pl.kernel,
    mesh=_MESH,
    out_type=jax.ShapeDtypeStruct((N, N), jnp.float32),
    scratch_types=[
        pltpu.VMEM((CH,), jnp.int32),
        pltpu.VMEM((CH, N), jnp.float32),
        pltpu.SemaphoreType.DMA,
    ],
)
def _row_permute(t1_hbm, rank_hbm, out_hbm, idx_v, rows_v, sem):
    wid = lax.axis_index("s") * NC + lax.axis_index("c")
    base = pl.multiple_of(wid * ROWS_W, ROWS_W)
    for c in range(ROWS_W // CH):
        pltpu.sync_copy(rank_hbm.at[pl.ds(base + c * CH, CH)], idx_v)
        pltpu.async_copy(t1_hbm.at[idx_v], rows_v, sem).wait()
        pltpu.sync_copy(rows_v, out_hbm.at[pl.ds(base + c * CH, CH)])


def kernel(uR, g_logscale, noise):
    ordering = jnp.sum(jnp.log(0.5 + 0.5 * erf(uR / np.sqrt(2.0))),
                       axis=1, keepdims=True)
    sort_idx = jnp.argsort(jnp.squeeze(ordering))
    rank = (jnp.zeros((N,), jnp.int32)
            .at[sort_idx].set(jnp.arange(N, dtype=jnp.int32)))

    nm1 = _noise_gather(jnp.reshape(noise, (P,)), rank)
    Y = uR[sort_idx, :]
    inv2s = (-0.5 * jnp.exp(-g_logscale)).reshape(1, 1)
    rk8 = jnp.broadcast_to(rank[None, :], (8, N))
    t1 = _dense(inv2s, Y, uR, nm1, rk8)
    return _row_permute(t1, rank)

# --- scband reference (transcript-rebuilt; emitter-appended) ---
"""Pipeline reference for scband-dep-graph-35888746726166 (READ-ONLY COPY).

The authoritative reference and input builder live on the scoring server;
editing this copy changes nothing except your own understanding.
"""

import jax, jax.numpy as jnp
import numpy as np
from jax.scipy.special import erf

N = 2048
DIM_U = 16
TEMPERATURE = 0.3
LOG2 = 0.69314718056


def logitexp(logp):
    pos = jnp.maximum(logp, -LOG2)
    neg = jnp.minimum(logp, -LOG2)
    neg_val = neg - jnp.log(1.0 - jnp.exp(neg))
    pos_val = -jnp.log(jnp.maximum(jnp.expm1(-pos), 1e-20))
    return pos_val + neg_val


def order_z(z):
    return jnp.sum(jnp.log(0.5 + 0.5 * erf(z / np.sqrt(2.0))), axis=1, keepdims=True)


def setup_inputs(seed: int = 0) -> dict:
    key = jax.random.key(seed)
    k1, k2 = jax.random.split(key)
    uR = jax.random.normal(k1, (N, DIM_U), dtype=jnp.float32)
    P = N * (N - 1) // 2
    # logistic noise for LogitRelaxedBernoulli.rsample (reparameterized)
    u = jax.random.uniform(k2, (P, 1), dtype=jnp.float32, minval=1e-6, maxval=1.0 - 1e-6)
    noise = jnp.log(u) - jnp.log1p(-u)
    g_logscale = jnp.asarray(np.log(DIM_U) * 0.5, dtype=jnp.float32)
    return {"uR": uR, "g_logscale": g_logscale, "noise": noise}


def reference(uR, g_logscale, noise):
    # static upper-triangular pair indices
    i0_np, i1_np = np.triu_indices(N, 1)
    i0 = jnp.asarray(i0_np)
    i1 = jnp.asarray(i1_np)
    # sample_G (training mode): sort by order_z, pairwise g, relaxed bernoulli, scatter, unsort
    ordering = order_z(uR)
    sort_idx = jnp.argsort(jnp.squeeze(ordering))
    Y = uR[sort_idx, :]
    # g(cat([Y[i0], Y[i1]], 1)): x[:, dim_u:] - x[:, :dim_u] == Y[i1] - Y[i0]
    diff = Y[i1, :] - Y[i0, :]
    logits = logitexp(-0.5 * jnp.sum(diff * diff, axis=1, keepdims=True) / jnp.exp(g_logscale))
    # LogitRelaxedBernoulli rsample: (logits + logistic_noise) / temperature, then sigmoid
    G = jax.nn.sigmoid((logits + noise) / TEMPERATURE)
    unsorted_G = jnp.zeros((N, N), dtype=jnp.float32).at[i0, i1].set(jnp.squeeze(G))
    original_idx = jnp.argsort(sort_idx)
    unsorted_G = unsorted_G[original_idx, :][:, original_idx]
    return unsorted_G

if __name__ == "__main__":
    import jax
    _d = setup_inputs()
    print(jax.jit(kernel)(*tuple(_d.values())))

</pallas_src>

<mosaic_0001>
#map = affine_map<(d0, d1) -> (0, 0)>
#map1 = affine_map<(d0, d1) -> (0)>
module attributes {stable_mosaic.version = 14 : i64} {
  func.func @_row_permute(%arg0: i32, %arg1: i32, %arg2: memref<2048x2048xf32, #tpu.memory_space<hbm>>, %arg3: memref<2048xi32, #tpu.memory_space<hbm>>, %arg4: memref<2048x2048xf32, #tpu.memory_space<hbm>>, %arg5: memref<16xi32, #tpu.memory_space<vmem>>, %arg6: memref<16x2048xf32, #tpu.memory_space<vmem>>, %arg7: memref<!tpu.dma_semaphore, #tpu.memory_space<semaphore_mem>>) attributes {dimension_semantics = [#tpu.dimension_semantics<core_parallel>, #tpu.dimension_semantics<subcore_parallel>], iteration_bounds = array<i64: 2, 16>, scalar_prefetch = 0 : i64, scratch_operands = 3 : i64, tpu.core_type = #tpu.core_type<sc_vector_subcore>, window_params = [{transform_indices = #map}, {transform_indices = #map1}, {transform_indices = #map}]} {
    %mul3A = arith.constant 2 : i32
    %mul3A_0 = arith.muli %arg1, %mul3A : i32
    %add3A = arith.addi %mul3A_0, %arg0 : i32
    %mul3A_1 = arith.constant 64 : i32
    %mul3A_2 = arith.muli %add3A, %mul3A_1 : i32
    %multiple_of3A = tpu.assume_multiple %mul3A_2, 64 : i32
    %add3A_3 = arith.constant 0 : i32
    %add3A_4 = arith.addi %multiple_of3A, %add3A_3 : i32
    "tpu.region"() ({
      %run_scoped3A = tpu.sem_alloc : memref<!tpu.dma_semaphore, #tpu.memory_space<semaphore_mem>>
      %dma_start3A_41 = tpu.memref_slice %arg3[%add3A_4] : memref<2048xi32, #tpu.memory_space<hbm>> -> memref<16xi32, #tpu.memory_space<hbm>>
      %dma_start3A_42 = tpu.memref_slice %arg3[%add3A_4] : memref<2048xi32, #tpu.memory_space<hbm>> -> memref<16xi32, #tpu.memory_space<hbm>>
      tpu.enqueue_dma source(%dma_start3A_42 : memref<16xi32, #tpu.memory_space<hbm>>) target(%arg5 : memref<16xi32, #tpu.memory_space<vmem>>) target_semaphore(%run_scoped3A : memref<!tpu.dma_semaphore, #tpu.memory_space<semaphore_mem>>)
      %dma_wait3A_43 = tpu.memref_slice %arg3[%add3A_4] : memref<2048xi32, #tpu.memory_space<hbm>> -> memref<16xi32, #tpu.memory_space<hbm>>
      %dma_wait3A_44 = tpu.memref_slice %arg3[%add3A_4] : memref<2048xi32, #tpu.memory_space<hbm>> -> memref<16xi32, #tpu.memory_space<hbm>>
      tpu.wait_dma2 semaphore(%run_scoped3A : memref<!tpu.dma_semaphore, #tpu.memory_space<semaphore_mem>>) src(%dma_wait3A_44 : memref<16xi32, #tpu.memory_space<hbm>>) dst(%arg5 : memref<16xi32, #tpu.memory_space<vmem>>)
      tpu.yield
    }) : () -> ()
    %dma_start3A = arith.constant 0 : i32
    %dma_start3A_5 = arith.constant 0 : i32
    %dma_start3A_6 = tpu.memref_slice %arg2[%dma_start3A, %dma_start3A_5] : memref<2048x2048xf32, #tpu.memory_space<hbm>> -> memref<2048x2048xf32, #tpu.memory_space<hbm>>
    tpu.enqueue_indirect_dma source(%dma_start3A_6 : memref<2048x2048xf32, #tpu.memory_space<hbm>>) target(%arg6 : memref<16x2048xf32, #tpu.memory_space<vmem>>) offsets(%arg5 : memref<16xi32, #tpu.memory_space<vmem>>) semaphore(%arg7 : memref<!tpu.dma_semaphore, #tpu.memory_space<semaphore_mem>>)
    %dma_wait3A = arith.constant 0 : i32
    %dma_wait3A_7 = arith.constant 0 : i32
    %dma_wait3A_8 = tpu.memref_slice %arg2[%dma_wait3A, %dma_wait3A_7] : memref<2048x2048xf32, #tpu.memory_space<hbm>> -> memref<2048x2048xf32, #tpu.memory_space<hbm>>
    tpu.wait_indirect_dma semaphore(%arg7 : memref<!tpu.dma_semaphore, #tpu.memory_space<semaphore_mem>>) src(%dma_wait3A_8 : memref<2048x2048xf32, #tpu.memory_space<hbm>>) dst(%arg6 : memref<16x2048xf32, #tpu.memory_space<vmem>>)
    %add3A_9 = arith.constant 0 : i32
    %add3A_10 = arith.addi %multiple_of3A, %add3A_9 : i32
    "tpu.region"() ({
      %run_scoped3A = tpu.sem_alloc : memref<!tpu.dma_semaphore, #tpu.memory_space<semaphore_mem>>
      %dma_start3A_41 = arith.constant 0 : i32
      %dma_start3A_42 = tpu.memref_slice %arg4[%add3A_10, %dma_start3A_41] : memref<2048x2048xf32, #tpu.memory_space<hbm>> -> memref<16x2048xf32, #tpu.memory_space<hbm>>
      %dma_start3A_43 = arith.constant 0 : i32
      %dma_start3A_44 = tpu.memref_slice %arg4[%add3A_10, %dma_start3A_43] : memref<2048x2048xf32, #tpu.memory_space<hbm>> -> memref<16x2048xf32, #tpu.memory_space<hbm>>
      tpu.enqueue_dma source(%arg6 : memref<16x2048xf32, #tpu.memory_space<vmem>>) target(%dma_start3A_44 : memref<16x2048xf32, #tpu.memory_space<hbm>>) target_semaphore(%run_scoped3A : memref<!tpu.dma_semaphore, #tpu.memory_space<semaphore_mem>>)
      %dma_wait3A_45 = arith.constant 0 : i32
      %dma_wait3A_46 = tpu.memref_slice %arg4[%add3A_10, %dma_wait3A_45] : memref<2048x2048xf32, #tpu.memory_space<hbm>> -> memref<16x2048xf32, #tpu.memory_space<hbm>>
      %dma_wait3A_47 = arith.constant 0 : i32
      %dma_wait3A_48 = tpu.memref_slice %arg4[%add3A_10, %dma_wait3A_47] : memref<2048x2048xf32, #tpu.memory_space<hbm>> -> memref<16x2048xf32, #tpu.memory_space<hbm>>
      tpu.wait_dma2 semaphore(%run_scoped3A : memref<!tpu.dma_semaphore, #tpu.memory_space<semaphore_mem>>) src(%arg6 : memref<16x2048xf32, #tpu.memory_space<vmem>>) dst(%dma_wait3A_48 : memref<16x2048xf32, #tpu.memory_space<hbm>>)
      tpu.yield
    }) : () -> ()
    %add3A_11 = arith.constant 16 : i32
    %add3A_12 = arith.addi %multiple_of3A, %add3A_11 : i32
    "tpu.region"() ({
      %run_scoped3A = tpu.sem_alloc : memref<!tpu.dma_semaphore, #tpu.memory_space<semaphore_mem>>
      %dma_start3A_41 = tpu.memref_slice %arg3[%add3A_12] : memref<2048xi32, #tpu.memory_space<hbm>> -> memref<16xi32, #tpu.memory_space<hbm>>
      %dma_start3A_42 = tpu.memref_slice %arg3[%add3A_12] : memref<2048xi32, #tpu.memory_space<hbm>> -> memref<16xi32, #tpu.memory_space<hbm>>
      tpu.enqueue_dma source(%dma_start3A_42 : memref<16xi32, #tpu.memory_space<hbm>>) target(%arg5 : memref<16xi32, #tpu.memory_space<vmem>>) target_semaphore(%run_scoped3A : memref<!tpu.dma_semaphore, #tpu.memory_space<semaphore_mem>>)
      %dma_wait3A_43 = tpu.memref_slice %arg3[%add3A_12] : memref<2048xi32, #tpu.memory_space<hbm>> -> memref<16xi32, #tpu.memory_space<hbm>>
      %dma_wait3A_44 = tpu.memref_slice %arg3[%add3A_12] : memref<2048xi32, #tpu.memory_space<hbm>> -> memref<16xi32, #tpu.memory_space<hbm>>
      tpu.wait_dma2 semaphore(%run_scoped3A : memref<!tpu.dma_semaphore, #tpu.memory_space<semaphore_mem>>) src(%dma_wait3A_44 : memref<16xi32, #tpu.memory_space<hbm>>) dst(%arg5 : memref<16xi32, #tpu.memory_space<vmem>>)
      tpu.yield
    }) : () -> ()
    %dma_start3A_13 = arith.constant 0 : i32
    %dma_start3A_14 = arith.constant 0 : i32
    %dma_start3A_15 = tpu.memref_slice %arg2[%dma_start3A_13, %dma_start3A_14] : memref<2048x2048xf32, #tpu.memory_space<hbm>> -> memref<2048x2048xf32, #tpu.memory_space<hbm>>
    tpu.enqueue_indirect_dma source(%dma_start3A_15 : memref<2048x2048xf32, #tpu.memory_space<hbm>>) target(%arg6 : memref<16x2048xf32, #tpu.memory_space<vmem>>) offsets(%arg5 : memref<16xi32, #tpu.memory_space<vmem>>) semaphore(%arg7 : memref<!tpu.dma_semaphore, #tpu.memory_space<semaphore_mem>>)
    %dma_wait3A_16 = arith.constant 0 : i32
    %dma_wait3A_17 = arith.constant 0 : i32
    %dma_wait3A_18 = tpu.memref_slice %arg2[%dma_wait3A_16, %dma_wait3A_17] : memref<2048x2048xf32, #tpu.memory_space<hbm>> -> memref<2048x2048xf32, #tpu.memory_space<hbm>>
    tpu.wait_indirect_dma semaphore(%arg7 : memref<!tpu.dma_semaphore, #tpu.memory_space<semaphore_mem>>) src(%dma_wait3A_18 : memref<2048x2048xf32, #tpu.memory_space<hbm>>) dst(%arg6 : memref<16x2048xf32, #tpu.memory_space<vmem>>)
    %add3A_19 = arith.constant 16 : i32
    %add3A_20 = arith.addi %multiple_of3A, %add3A_19 : i32
    "tpu.region"() ({
      %run_scoped3A = tpu.sem_alloc : memref<!tpu.dma_semaphore, #tpu.memory_space<semaphore_mem>>
      %dma_start3A_41 = arith.constant 0 : i32
      %dma_start3A_42 = tpu.memref_slice %arg4[%add3A_20, %dma_start3A_41] : memref<2048x2048xf32, #tpu.memory_space<hbm>> -> memref<16x2048xf32, #tpu.memory_space<hbm>>
      %dma_start3A_43 = arith.constant 0 : i32
      %dma_start3A_44 = tpu.memref_slice %arg4[%add3A_20, %dma_start3A_43] : memref<2048x2048xf32, #tpu.memory_space<hbm>> -> memref<16x2048xf32, #tpu.memory_space<hbm>>
      tpu.enqueue_dma source(%arg6 : memref<16x2048xf32, #tpu.memory_space<vmem>>) target(%dma_start3A_44 : memref<16x2048xf32, #tpu.memory_space<hbm>>) target_semaphore(%run_scoped3A : memref<!tpu.dma_semaphore, #tpu.memory_space<semaphore_mem>>)
      %dma_wait3A_45 = arith.constant 0 : i32
      %dma_wait3A_46 = tpu.memref_slice %arg4[%add3A_20, %dma_wait3A_45] : memref<2048x2048xf32, #tpu.memory_space<hbm>> -> memref<16x2048xf32, #tpu.memory_space<hbm>>
      %dma_wait3A_47 = arith.constant 0 : i32
      %dma_wait3A_48 = tpu.memref_slice %arg4[%add3A_20, %dma_wait3A_47] : memref<2048x2048xf32, #tpu.memory_space<hbm>> -> memref<16x2048xf32, #tpu.memory_space<hbm>>
      tpu.wait_dma2 semaphore(%run_scoped3A : memref<!tpu.dma_semaphore, #tpu.memory_space<semaphore_mem>>) src(%arg6 : memref<16x2048xf32, #tpu.memory_space<vmem>>) dst(%dma_wait3A_48 : memref<16x2048xf32, #tpu.memory_space<hbm>>)
      tpu.yield
    }) : () -> ()
    %add3A_21 = arith.constant 32 : i32
    %add3A_22 = arith.addi %multiple_of3A, %add3A_21 : i32
    "tpu.region"() ({
      %run_scoped3A = tpu.sem_alloc : memref<!tpu.dma_semaphore, #tpu.memory_space<semaphore_mem>>
      %dma_start3A_41 = tpu.memref_slice %arg3[%add3A_22] : memref<2048xi32, #tpu.memory_space<hbm>> -> memref<16xi32, #tpu.memory_space<hbm>>
      %dma_start3A_42 = tpu.memref_slice %arg3[%add3A_22] : memref<2048xi32, #tpu.memory_space<hbm>> -> memref<16xi32, #tpu.memory_space<hbm>>
      tpu.enqueue_dma source(%dma_start3A_42 : memref<16xi32, #tpu.memory_space<hbm>>) target(%arg5 : memref<16xi32, #tpu.memory_space<vmem>>) target_semaphore(%run_scoped3A : memref<!tpu.dma_semaphore, #tpu.memory_space<semaphore_mem>>)
      %dma_wait3A_43 = tpu.memref_slice %arg3[%add3A_22] : memref<2048xi32, #tpu.memory_space<hbm>> -> memref<16xi32, #tpu.memory_space<hbm>>
      %dma_wait3A_44 = tpu.memref_slice %arg3[%add3A_22] : memref<2048xi32, #tpu.memory_space<hbm>> -> memref<16xi32, #tpu.memory_space<hbm>>
      tpu.wait_dma2 semaphore(%run_scoped3A : memref<!tpu.dma_semaphore, #tpu.memory_space<semaphore_mem>>) src(%dma_wait3A_44 : memref<16xi32, #tpu.memory_space<hbm>>) dst(%arg5 : memref<16xi32, #tpu.memory_space<vmem>>)
      tpu.yield
    }) : () -> ()
    %dma_start3A_23 = arith.constant 0 : i32
    %dma_start3A_24 = arith.constant 0 : i32
    %dma_start3A_25 = tpu.memref_slice %arg2[%dma_start3A_23, %dma_start3A_24] : memref<2048x2048xf32, #tpu.memory_space<hbm>> -> memref<2048x2048xf32, #tpu.memory_space<hbm>>
    tpu.enqueue_indirect_dma source(%dma_start3A_25 : memref<2048x2048xf32, #tpu.memory_space<hbm>>) target(%arg6 : memref<16x2048xf32, #tpu.memory_space<vmem>>) offsets(%arg5 : memref<16xi32, #tpu.memory_space<vmem>>) semaphore(%arg7 : memref<!tpu.dma_semaphore, #tpu.memory_space<semaphore_mem>>)
    %dma_wait3A_26 = arith.constant 0 : i32
    %dma_wait3A_27 = arith.constant 0 : i32
    %dma_wait3A_28 = tpu.memref_slice %arg2[%dma_wait3A_26, %dma_wait3A_27] : memref<2048x2048xf32, #tpu.memory_space<hbm>> -> memref<2048x2048xf32, #tpu.memory_space<hbm>>
    tpu.wait_indirect_dma semaphore(%arg7 : memref<!tpu.dma_semaphore, #tpu.memory_space<semaphore_mem>>) src(%dma_wait3A_28 : memref<2048x2048xf32, #tpu.memory_space<hbm>>) dst(%arg6 : memref<16x2048xf32, #tpu.memory_space<vmem>>)
    %add3A_29 = arith.constant 32 : i32
    %add3A_30 = arith.addi %multiple_of3A, %add3A_29 : i32
    "tpu.region"() ({
      %run_scoped3A = tpu.sem_alloc : memref<!tpu.dma_semaphore, #tpu.memory_space<semaphore_mem>>
      %dma_start3A_41 = arith.constant 0 : i32
      %dma_start3A_42 = tpu.memref_slice %arg4[%add3A_30, %dma_start3A_41] : memref<2048x2048xf32, #tpu.memory_space<hbm>> -> memref<16x2048xf32, #tpu.memory_space<hbm>>
      %dma_start3A_43 = arith.constant 0 : i32
      %dma_start3A_44 = tpu.memref_slice %arg4[%add3A_30, %dma_start3A_43] : memref<2048x2048xf32, #tpu.memory_space<hbm>> -> memref<16x2048xf32, #tpu.memory_space<hbm>>
      tpu.enqueue_dma source(%arg6 : memref<16x2048xf32, #tpu.memory_space<vmem>>) target(%dma_start3A_44 : memref<16x2048xf32, #tpu.memory_space<hbm>>) target_semaphore(%run_scoped3A : memref<!tpu.dma_semaphore, #tpu.memory_space<semaphore_mem>>)
      %dma_wait3A_45 = arith.constant 0 : i32
      %dma_wait3A_46 = tpu.memref_slice %arg4[%add3A_30, %dma_wait3A_45] : memref<2048x2048xf32, #tpu.memory_space<hbm>> -> memref<16x2048xf32, #tpu.memory_space<hbm>>
      %dma_wait3A_47 = arith.constant 0 : i32
      %dma_wait3A_48 = tpu.memref_slice %arg4[%add3A_30, %dma_wait3A_47] : memref<2048x2048xf32, #tpu.memory_space<hbm>> -> memref<16x2048xf32, #tpu.memory_space<hbm>>
      tpu.wait_dma2 semaphore(%run_scoped3A : memref<!tpu.dma_semaphore, #tpu.memory_space<semaphore_mem>>) src(%arg6 : memref<16x2048xf32, #tpu.memory_space<vmem>>) dst(%dma_wait3A_48 : memref<16x2048xf32, #tpu.memory_space<hbm>>)
      tpu.yield
    }) : () -> ()
    %add3A_31 = arith.constant 48 : i32
    %add3A_32 = arith.addi %multiple_of3A, %add3A_31 : i32
    "tpu.region"() ({
      %run_scoped3A = tpu.sem_alloc : memref<!tpu.dma_semaphore, #tpu.memory_space<semaphore_mem>>
      %dma_start3A_41 = tpu.memref_slice %arg3[%add3A_32] : memref<2048xi32, #tpu.memory_space<hbm>> -> memref<16xi32, #tpu.memory_space<hbm>>
      %dma_start3A_42 = tpu.memref_slice %arg3[%add3A_32] : memref<2048xi32, #tpu.memory_space<hbm>> -> memref<16xi32, #tpu.memory_space<hbm>>
      tpu.enqueue_dma source(%dma_start3A_42 : memref<16xi32, #tpu.memory_space<hbm>>) target(%arg5 : memref<16xi32, #tpu.memory_space<vmem>>) target_semaphore(%run_scoped3A : memref<!tpu.dma_semaphore, #tpu.memory_space<semaphore_mem>>)
      %dma_wait3A_43 = tpu.memref_slice %arg3[%add3A_32] : memref<2048xi32, #tpu.memory_space<hbm>> -> memref<16xi32, #tpu.memory_space<hbm>>
      %dma_wait3A_44 = tpu.memref_slice %arg3[%add3A_32] : memref<2048xi32, #tpu.memory_space<hbm>> -> memref<16xi32, #tpu.memory_space<hbm>>
      tpu.wait_dma2 semaphore(%run_scoped3A : memref<!tpu.dma_semaphore, #tpu.memory_space<semaphore_mem>>) src(%dma_wait3A_44 : memref<16xi32, #tpu.memory_space<hbm>>) dst(%arg5 : memref<16xi32, #tpu.memory_space<vmem>>)
      tpu.yield
    }) : () -> ()
    %dma_start3A_33 = arith.constant 0 : i32
    %dma_start3A_34 = arith.constant 0 : i32
    %dma_start3A_35 = tpu.memref_slice %arg2[%dma_start3A_33, %dma_start3A_34] : memref<2048x2048xf32, #tpu.memory_space<hbm>> -> memref<2048x2048xf32, #tpu.memory_space<hbm>>
    tpu.enqueue_indirect_dma source(%dma_start3A_35 : memref<2048x2048xf32, #tpu.memory_space<hbm>>) target(%arg6 : memref<16x2048xf32, #tpu.memory_space<vmem>>) offsets(%arg5 : memref<16xi32, #tpu.memory_space<vmem>>) semaphore(%arg7 : memref<!tpu.dma_semaphore, #tpu.memory_space<semaphore_mem>>)
    %dma_wait3A_36 = arith.constant 0 : i32
    %dma_wait3A_37 = arith.constant 0 : i32
    %dma_wait3A_38 = tpu.memref_slice %arg2[%dma_wait3A_36, %dma_wait3A_37] : memref<2048x2048xf32, #tpu.memory_space<hbm>> -> memref<2048x2048xf32, #tpu.memory_space<hbm>>
    tpu.wait_indirect_dma semaphore(%arg7 : memref<!tpu.dma_semaphore, #tpu.memory_space<semaphore_mem>>) src(%dma_wait3A_38 : memref<2048x2048xf32, #tpu.memory_space<hbm>>) dst(%arg6 : memref<16x2048xf32, #tpu.memory_space<vmem>>)
    %add3A_39 = arith.constant 48 : i32
    %add3A_40 = arith.addi %multiple_of3A, %add3A_39 : i32
    "tpu.region"() ({
      %run_scoped3A = tpu.sem_alloc : memref<!tpu.dma_semaphore, #tpu.memory_space<semaphore_mem>>
      %dma_start3A_41 = arith.constant 0 : i32
      %dma_start3A_42 = tpu.memref_slice %arg4[%add3A_40, %dma_start3A_41] : memref<2048x2048xf32, #tpu.memory_space<hbm>> -> memref<16x2048xf32, #tpu.memory_space<hbm>>
      %dma_start3A_43 = arith.constant 0 : i32
      %dma_start3A_44 = tpu.memref_slice %arg4[%add3A_40, %dma_start3A_43] : memref<2048x2048xf32, #tpu.memory_space<hbm>> -> memref<16x2048xf32, #tpu.memory_space<hbm>>
      tpu.enqueue_dma source(%arg6 : memref<16x2048xf32, #tpu.memory_space<vmem>>) target(%dma_start3A_44 : memref<16x2048xf32, #tpu.memory_space<hbm>>) target_semaphore(%run_scoped3A : memref<!tpu.dma_semaphore, #tpu.memory_space<semaphore_mem>>)
      %dma_wait3A_45 = arith.constant 0 : i32
      %dma_wait3A_46 = tpu.memref_slice %arg4[%add3A_40, %dma_wait3A_45] : memref<2048x2048xf32, #tpu.memory_space<hbm>> -> memref<16x2048xf32, #tpu.memory_space<hbm>>
      %dma_wait3A_47 = arith.constant 0 : i32
      %dma_wait3A_48 = tpu.memref_slice %arg4[%add3A_40, %dma_wait3A_47] : memref<2048x2048xf32, #tpu.memory_space<hbm>> -> memref<16x2048xf32, #tpu.memory_space<hbm>>
      tpu.wait_dma2 semaphore(%run_scoped3A : memref<!tpu.dma_semaphore, #tpu.memory_space<semaphore_mem>>) src(%arg6 : memref<16x2048xf32, #tpu.memory_space<vmem>>) dst(%dma_wait3A_48 : memref<16x2048xf32, #tpu.memory_space<hbm>>)
      tpu.yield
    }) : () -> ()
    return
  }
}

#map = affine_map<(d0, d1) -> (0)>
#map1 = affine_map<(d0, d1) -> (0, 0)>
module attributes {stable_mosaic.version = 14 : i64} {
  func.func @_noise_gather(%arg0: i32, %arg1: i32, %arg2: memref<2096128xf32, #tpu.memory_space<hbm>>, %arg3: memref<2048xi32, #tpu.memory_space<hbm>>, %arg4: memref<2048x2048xf32, #tpu.memory_space<hbm>>, %arg5: memref<2048xi32, #tpu.memory_space<vmem>>, %arg6: memref<8224xf32, #tpu.memory_space<vmem>>, %arg7: memref<8192xf32, #tpu.memory_space<vmem>>, %arg8: memref<!tpu.dma_semaphore, #tpu.memory_space<semaphore_mem>>, %arg9: memref<!tpu.dma_semaphore, #tpu.memory_space<semaphore_mem>>) attributes {dimension_semantics = [#tpu.dimension_semantics<core_parallel>, #tpu.dimension_semantics<subcore_parallel>], iteration_bounds = array<i64: 2, 16>, scalar_prefetch = 0 : i64, scratch_operands = 5 : i64, tpu.core_type = #tpu.core_type<sc_vector_subcore>, window_params = [{transform_indices = #map}, {transform_indices = #map}, {transform_indices = #map1}]} {
    %mul3A = arith.constant 2 : i32
    %mul3A_0 = arith.muli %arg1, %mul3A : i32
    %add3A = arith.addi %mul3A_0, %arg0 : i32
    %mul3A_1 = arith.constant 64 : i32
    %mul3A_2 = arith.muli %add3A, %mul3A_1 : i32
    %multiple_of3A = tpu.assume_multiple %mul3A_2, 64 : i32
    "tpu.region"() ({
      %run_scoped3A = tpu.sem_alloc : memref<!tpu.dma_semaphore, #tpu.memory_space<semaphore_mem>>
      tpu.enqueue_dma source(%arg3 : memref<2048xi32, #tpu.memory_space<hbm>>) target(%arg5 : memref<2048xi32, #tpu.memory_space<vmem>>) target_semaphore(%run_scoped3A : memref<!tpu.dma_semaphore, #tpu.memory_space<semaphore_mem>>)
      tpu.wait_dma2 semaphore(%run_scoped3A : memref<!tpu.dma_semaphore, #tpu.memory_space<semaphore_mem>>) src(%arg3 : memref<2048xi32, #tpu.memory_space<hbm>>) dst(%arg5 : memref<2048xi32, #tpu.memory_space<vmem>>)
      tpu.yield
    }) : () -> ()
    %add3A_3 = arith.constant 0 : i32
    %add3A_4 = arith.addi %multiple_of3A, %add3A_3 : i32
    %mul3A_5 = arith.constant 2047 : i32
    %mul3A_6 = arith.muli %add3A_4, %mul3A_5 : i32
    %sub3A = arith.constant 1 : i32
    %sub3A_7 = arith.subi %add3A_4, %sub3A : i32
    %mul3A_8 = arith.muli %add3A_4, %sub3A_7 : i32
    %shift_right_arithmetic3A = arith.constant 1 : i32
    %shift_right_arithmetic3A_9 = arith.shrsi %mul3A_8, %shift_right_arithmetic3A : i32
    %sub3A_10 = arith.subi %mul3A_6, %shift_right_arithmetic3A_9 : i32
    %sub3A_11 = arith.subi %sub3A_10, %add3A_4 : i32
    %sub3A_12 = arith.constant 1 : i32
    %sub3A_13 = arith.subi %sub3A_11, %sub3A_12 : i32
    %and3A = arith.constant -8 : i32
    %and3A_14 = arith.andi %sub3A_13, %and3A : i32
    %min3A = arith.constant 2094072 : i32
    %min3A_15 = arith.minsi %and3A_14, %min3A : i32
    %max3A = arith.constant 0 : i32
    %max3A_16 = arith.maxsi %min3A_15, %max3A : i32
    %multiple_of3A_17 = tpu.assume_multiple %max3A_16, 8 : i32
    %sub3A_18 = arith.subi %sub3A_13, %multiple_of3A_17 : i32
    %multiple_of3A_19 = arith.constant 0 : i32
    %multiple_of3A_20 = tpu.assume_multiple %multiple_of3A_19, 8 : i32
    %dma_start3A = tpu.memref_slice %arg6[%multiple_of3A_20] : memref<8224xf32, #tpu.memory_space<vmem>> -> memref<2056xf32, #tpu.memory_space<vmem>>
    %dma_start3A_21 = tpu.memref_slice %arg2[%multiple_of3A_17] : memref<2096128xf32, #tpu.memory_space<hbm>> -> memref<2056xf32, #tpu.memory_space<hbm>>
    %dma_start3A_22 = tpu.memref_slice %arg6[%multiple_of3A_20] : memref<8224xf32, #tpu.memory_space<vmem>> -> memref<2056xf32, #tpu.memory_space<vmem>>
    %dma_start3A_23 = tpu.memref_slice %arg2[%multiple_of3A_17] : memref<2096128xf32, #tpu.memory_space<hbm>> -> memref<2056xf32, #tpu.memory_space<hbm>>
    tpu.enqueue_dma source(%dma_start3A_23 : memref<2056xf32, #tpu.memory_space<hbm>>) target(%dma_start3A_22 : memref<2056xf32, #tpu.memory_space<vmem>>) target_semaphore(%arg8 : memref<!tpu.dma_semaphore, #tpu.memory_space<semaphore_mem>>)
    %add3A_24 = arith.constant 1 : i32
    %add3A_25 = arith.addi %multiple_of3A, %add3A_24 : i32
    %mul3A_26 = arith.constant 2047 : i32
    %mul3A_27 = arith.muli %add3A_25, %mul3A_26 : i32
    %sub3A_28 = arith.constant 1 : i32
    %sub3A_29 = arith.subi %add3A_25, %sub3A_28 : i32
    %mul3A_30 = arith.muli %add3A_25, %sub3A_29 : i32
    %shift_right_arithmetic3A_31 = arith.constant 1 : i32
    %shift_right_arithmetic3A_32 = arith.shrsi %mul3A_30, %shift_right_arithmetic3A_31 : i32
    %sub3A_33 = arith.subi %mul3A_27, %shift_right_arithmetic3A_32 : i32
    %sub3A_34 = arith.subi %sub3A_33, %add3A_25 : i32
    %sub3A_35 = arith.constant 1 : i32
    %sub3A_36 = arith.subi %sub3A_34, %sub3A_35 : i32
    %and3A_37 = arith.constant -8 : i32
    %and3A_38 = arith.andi %sub3A_36, %and3A_37 : i32
    %min3A_39 = arith.constant 2094072 : i32
    %min3A_40 = arith.minsi %and3A_38, %min3A_39 : i32
    %max3A_41 = arith.constant 0 : i32
    %max3A_42 = arith.maxsi %min3A_40, %max3A_41 : i32
    %multiple_of3A_43 = tpu.assume_multiple %max3A_42, 8 : i32
    %sub3A_44 = arith.subi %sub3A_36, %multiple_of3A_43 : i32
    %multiple_of3A_45 = arith.constant 2056 : i32
    %multiple_of3A_46 = tpu.assume_multiple %multiple_of3A_45, 8 : i32
    %dma_start3A_47 = tpu.memref_slice %arg6[%multiple_of3A_46] : memref<8224xf32, #tpu.memory_space<vmem>> -> memref<2056xf32, #tpu.memory_space<vmem>>
    %dma_start3A_48 = tpu.memref_slice %arg2[%multiple_of3A_43] : memref<2096128xf32, #tpu.memory_space<hbm>> -> memref<2056xf32, #tpu.memory_space<hbm>>
    %dma_start3A_49 = tpu.memref_slice %arg6[%multiple_of3A_46] : memref<8224xf32, #tpu.memory_space<vmem>> -> memref<2056xf32, #tpu.memory_space<vmem>>
    %dma_start3A_50 = tpu.memref_slice %arg2[%multiple_of3A_43] : memref<2096128xf32, #tpu.memory_space<hbm>> -> memref<2056xf32, #tpu.memory_space<hbm>>
    tpu.enqueue_dma source(%dma_start3A_50 : memref<2056xf32, #tpu.memory_space<hbm>>) target(%dma_start3A_49 : memref<2056xf32, #tpu.memory_space<vmem>>) target_semaphore(%arg8 : memref<!tpu.dma_semaphore, #tpu.memory_space<semaphore_mem>>)
    %add3A_51 = arith.constant 2 : i32
    %add3A_52 = arith.addi %multiple_of3A, %add3A_51 : i32
    %mul3A_53 = arith.constant 2047 : i32
    %mul3A_54 = arith.muli %add3A_52, %mul3A_53 : i32
    %sub3A_55 = arith.constant 1 : i32
    %sub3A_56 = arith.subi %add3A_52, %sub3A_55 : i32
    %mul3A_57 = arith.muli %add3A_52, %sub3A_56 : i32
    %shift_right_arithmetic3A_58 = arith.constant 1 : i32
    %shift_right_arithmetic3A_59 = arith.shrsi %mul3A_57, %shift_right_arithmetic3A_58 : i32
    %sub3A_60 = arith.subi %mul3A_54, %shift_right_arithmetic3A_59 : i32
    %sub3A_61 = arith.subi %sub3A_60, %add3A_52 : i32
    %sub3A_62 = arith.constant 1 : i32
    %sub3A_63 = arith.subi %sub3A_61, %sub3A_62 : i32
    %and3A_64 = arith.constant -8 : i32
    %and3A_65 = arith.andi %sub3A_63, %and3A_64 : i32
    %min3A_66 = arith.constant 2094072 : i32
    %min3A_67 = arith.minsi %and3A_65, %min3A_66 : i32
    %max3A_68 = arith.constant 0 : i32
    %max3A_69 = arith.maxsi %min3A_67, %max3A_68 : i32
    %multiple_of3A_70 = tpu.assume_multiple %max3A_69, 8 : i32
    %sub3A_71 = arith.subi %sub3A_63, %multiple_of3A_70 : i32
    %multiple_of3A_72 = arith.constant 4112 : i32
    %multiple_of3A_73 = tpu.assume_multiple %multiple_of3A_72, 8 : i32
    %dma_start3A_74 = tpu.memref_slice %arg6[%multiple_of3A_73] : memref<8224xf32, #tpu.memory_space<vmem>> -> memref<2056xf32, #tpu.memory_space<vmem>>
    %dma_start3A_75 = tpu.memref_slice %arg2[%multiple_of3A_70] : memref<2096128xf32, #tpu.memory_space<hbm>> -> memref<2056xf32, #tpu.memory_space<hbm>>
    %dma_start3A_76 = tpu.memref_slice %arg6[%multiple_of3A_73] : memref<8224xf32, #tpu.memory_space<vmem>> -> memref<2056xf32, #tpu.memory_space<vmem>>
    %dma_start3A_77 = tpu.memref_slice %arg2[%multiple_of3A_70] : memref<2096128xf32, #tpu.memory_space<hbm>> -> memref<2056xf32, #tpu.memory_space<hbm>>
    tpu.enqueue_dma source(%dma_start3A_77 : memref<2056xf32, #tpu.memory_space<hbm>>) target(%dma_start3A_76 : memref<2056xf32, #tpu.memory_space<vmem>>) target_semaphore(%arg8 : memref<!tpu.dma_semaphore, #tpu.memory_space<semaphore_mem>>)
    %scan3A = arith.constant 0 : i32
    %scan3A_78 = arith.constant 0 : i32
    %scan3A_79 = arith.constant 64 : i32
    %scan3A_80 = arith.addi %scan3A_78, %scan3A_79 : i32
    %scan3A_81 = arith.constant 1 : i32
    scf.for %scan3A_154 = %scan3A_78 to %scan3A_80 step %scan3A_81  : i32 {
      %add3A_155 = arith.addi %multiple_of3A, %scan3A_154 : i32
      %rem3A = arith.constant 4 : i32
      %rem3A_156 = arith.remsi %scan3A_154, %rem3A : i32
      %add3A_157 = arith.constant 4 : i32
      %add3A_158 = arith.addi %scan3A_154, %add3A_157 : i32
      %sub3A_159 = arith.constant 1 : i32
      %sub3A_160 = arith.subi %add3A_158, %sub3A_159 : i32
      %rem3A_161 = arith.constant 4 : i32
      %rem3A_162 = arith.remsi %sub3A_160, %rem3A_161 : i32
      %add3A_163 = arith.constant 4 : i32
      %add3A_164 = arith.addi %add3A_155, %add3A_163 : i32
      %sub3A_165 = arith.constant 1 : i32
      %sub3A_166 = arith.subi %add3A_164, %sub3A_165 : i32
      %mul3A_167 = arith.constant 2047 : i32
      %mul3A_168 = arith.muli %sub3A_166, %mul3A_167 : i32
      %sub3A_169 = arith.constant 1 : i32
      %sub3A_170 = arith.subi %sub3A_166, %sub3A_169 : i32
      %mul3A_171 = arith.muli %sub3A_166, %sub3A_170 : i32
      %shift_right_arithmetic3A_172 = arith.constant 1 : i32
      %shift_right_arithmetic3A_173 = arith.shrsi %mul3A_171, %shift_right_arithmetic3A_172 : i32
      %sub3A_174 = arith.subi %mul3A_168, %shift_right_arithmetic3A_173 : i32
      %sub3A_175 = arith.subi %sub3A_174, %sub3A_166 : i32
      %sub3A_176 = arith.constant 1 : i32
      %sub3A_177 = arith.subi %sub3A_175, %sub3A_176 : i32
      %and3A_178 = arith.constant -8 : i32
      %and3A_179 = arith.andi %sub3A_177, %and3A_178 : i32
      %min3A_180 = arith.constant 2094072 : i32
      %min3A_181 = arith.minsi %and3A_179, %min3A_180 : i32
      %max3A_182 = arith.constant 0 : i32
      %max3A_183 = arith.maxsi %min3A_181, %max3A_182 : i32
      %multiple_of3A_184 = tpu.assume_multiple %max3A_183, 8 : i32
      %sub3A_185 = arith.subi %sub3A_177, %multiple_of3A_184 : i32
      %mul3A_186 = arith.constant 2056 : i32
      %mul3A_187 = arith.muli %rem3A_162, %mul3A_186 : i32
      %multiple_of3A_188 = tpu.assume_multiple %mul3A_187, 8 : i32
      %dma_start3A_189 = tpu.memref_slice %arg6[%multiple_of3A_188] : memref<8224xf32, #tpu.memory_space<vmem>> -> memref<2056xf32, #tpu.memory_space<vmem>>
      %dma_start3A_190 = tpu.memref_slice %arg2[%multiple_of3A_184] : memref<2096128xf32, #tpu.memory_space<hbm>> -> memref<2056xf32, #tpu.memory_space<hbm>>
      %dma_start3A_191 = tpu.memref_slice %arg6[%multiple_of3A_188] : memref<8224xf32, #tpu.memory_space<vmem>> -> memref<2056xf32, #tpu.memory_space<vmem>>
      %dma_start3A_192 = tpu.memref_slice %arg2[%multiple_of3A_184] : memref<2096128xf32, #tpu.memory_space<hbm>> -> memref<2056xf32, #tpu.memory_space<hbm>>
      tpu.enqueue_dma source(%dma_start3A_192 : memref<2056xf32, #tpu.memory_space<hbm>>) target(%dma_start3A_191 : memref<2056xf32, #tpu.memory_space<vmem>>) target_semaphore(%arg8 : memref<!tpu.dma_semaphore, #tpu.memory_space<semaphore_mem>>)
      %mul3A_193 = arith.constant 2056 : i32
      %mul3A_194 = arith.muli %rem3A_156, %mul3A_193 : i32
      %multiple_of3A_195 = tpu.assume_multiple %mul3A_194, 8 : i32
      %dma_wait3A_196 = tpu.memref_slice %arg6[%multiple_of3A_195] : memref<8224xf32, #tpu.memory_space<vmem>> -> memref<2056xf32, #tpu.memory_space<vmem>>
      %dma_wait3A_197 = tpu.memref_slice %arg2[%multiple_of3A_184] : memref<2096128xf32, #tpu.memory_space<hbm>> -> memref<2056xf32, #tpu.memory_space<hbm>>
      %dma_wait3A_198 = tpu.memref_slice %arg6[%multiple_of3A_195] : memref<8224xf32, #tpu.memory_space<vmem>> -> memref<2056xf32, #tpu.memory_space<vmem>>
      %dma_wait3A_199 = tpu.memref_slice %arg2[%multiple_of3A_184] : memref<2096128xf32, #tpu.memory_space<hbm>> -> memref<2056xf32, #tpu.memory_space<hbm>>
      tpu.wait_dma2 semaphore(%arg8 : memref<!tpu.dma_semaphore, #tpu.memory_space<semaphore_mem>>) src(%dma_wait3A_199 : memref<2056xf32, #tpu.memory_space<hbm>>) dst(%dma_wait3A_198 : memref<2056xf32, #tpu.memory_space<vmem>>)
      %ge3A = arith.constant 4 : i32
      %ge3A_200 = arith.cmpi sge, %scan3A_154, %ge3A : i32
      %convert_element_type3A = arith.extui %ge3A_200 : i1 to i32
      %cond3A = arith.constant 0 : i32
      %cond3A_201 = arith.cmpi ne, %convert_element_type3A, %cond3A : i32
      scf.if %cond3A_201 {
        %mul3A_237 = arith.constant 2048 : i32
        %mul3A_238 = arith.muli %rem3A_156, %mul3A_237 : i32
        %multiple_of3A_239 = tpu.assume_multiple %mul3A_238, 8 : i32
        %sub3A_240 = arith.constant 4 : i32
        %sub3A_241 = arith.subi %add3A_155, %sub3A_240 : i32
        %dma_wait3A_242 = tpu.memref_slice %arg7[%multiple_of3A_239] : memref<8192xf32, #tpu.memory_space<vmem>> -> memref<2048xf32, #tpu.memory_space<vmem>>
        %dma_wait3A_243 = arith.constant 0 : i32
        %dma_wait3A_244 = tpu.memref_slice %arg4[%sub3A_241, %dma_wait3A_243] : memref<2048x2048xf32, #tpu.memory_space<hbm>> -> memref<1x2048xf32, #tpu.memory_space<hbm>>
        %dma_wait3A_245 = tpu.memref_squeeze %dma_wait3A_244 : memref<1x2048xf32, #tpu.memory_space<hbm>> -> memref<2048xf32, #tpu.memory_space<hbm>>
        %dma_wait3A_246 = arith.constant 0 : i32
        %dma_wait3A_247 = tpu.memref_slice %arg4[%sub3A_241, %dma_wait3A_246] : memref<2048x2048xf32, #tpu.memory_space<hbm>> -> memref<1x2048xf32, #tpu.memory_space<hbm>>
        %dma_wait3A_248 = tpu.memref_squeeze %dma_wait3A_247 : memref<1x2048xf32, #tpu.memory_space<hbm>> -> memref<2048xf32, #tpu.memory_space<hbm>>
        %dma_wait3A_249 = tpu.memref_slice %arg7[%multiple_of3A_239] : memref<8192xf32, #tpu.memory_space<vmem>> -> memref<2048xf32, #tpu.memory_space<vmem>>
        tpu.wait_dma2 semaphore(%arg9 : memref<!tpu.dma_semaphore, #tpu.memory_space<semaphore_mem>>) src(%dma_wait3A_249 : memref<2048xf32, #tpu.memory_space<vmem>>) dst(%dma_wait3A_248 : memref<2048xf32, #tpu.memory_space<hbm>>)
      } else {
      }
      %mul3A_202 = arith.constant 2047 : i32
      %mul3A_203 = arith.muli %add3A_155, %mul3A_202 : i32
      %sub3A_204 = arith.constant 1 : i32
      %sub3A_205 = arith.subi %add3A_155, %sub3A_204 : i32
      %mul3A_206 = arith.muli %add3A_155, %sub3A_205 : i32
      %shift_right_arithmetic3A_207 = arith.constant 1 : i32
      %shift_right_arithmetic3A_208 = arith.shrsi %mul3A_206, %shift_right_arithmetic3A_207 : i32
      %sub3A_209 = arith.subi %mul3A_203, %shift_right_arithmetic3A_208 : i32
      %sub3A_210 = arith.subi %sub3A_209, %add3A_155 : i32
      %sub3A_211 = arith.constant 1 : i32
      %sub3A_212 = arith.subi %sub3A_210, %sub3A_211 : i32
      %and3A_213 = arith.constant -8 : i32
      %and3A_214 = arith.andi %sub3A_212, %and3A_213 : i32
      %min3A_215 = arith.constant 2094072 : i32
      %min3A_216 = arith.minsi %and3A_214, %min3A_215 : i32
      %max3A_217 = arith.constant 0 : i32
      %max3A_218 = arith.maxsi %min3A_216, %max3A_217 : i32
      %multiple_of3A_219 = tpu.assume_multiple %max3A_218, 8 : i32
      %sub3A_220 = arith.subi %sub3A_212, %multiple_of3A_219 : i32
      %mul3A_221 = arith.constant 2056 : i32
      %mul3A_222 = arith.muli %rem3A_156, %mul3A_221 : i32
      %multiple_of3A_223 = tpu.assume_multiple %mul3A_222, 8 : i32
      %mul3A_224 = arith.constant 2048 : i32
      %mul3A_225 = arith.muli %rem3A_156, %mul3A_224 : i32
      %multiple_of3A_226 = tpu.assume_multiple %mul3A_225, 8 : i32
      %parallel_loop3A = arith.constant 0 : i32
      %parallel_loop3A_227 = arith.constant 2048 : i32
      %parallel_loop3A_228 = arith.constant 16 : i32
      scf.for %parallel_loop3A_237 = %parallel_loop3A to %parallel_loop3A_227 step %parallel_loop3A_228  : i32 {
        %parallel_loop3A_238 = arith.index_cast %parallel_loop3A_237 : i32 to index
        %parallel_loop3A_239 = tpu.vector_load %arg5[%parallel_loop3A_238] {strides = array<i32>} : memref<2048xi32, #tpu.memory_space<vmem>>, vector<16xi32>,
        %parallel_loop3A_240 = vector.broadcast %sub3A_220 : i32 to vector<16xi32>
        %parallel_loop3A_241 = arith.addi %parallel_loop3A_239, %parallel_loop3A_240 : vector<16xi32>
        %parallel_loop3A_242 = arith.constant 0 : i32
        %parallel_loop3A_243 = vector.broadcast %parallel_loop3A_242 : i32 to vector<16xi32>
        %parallel_loop3A_244 = arith.maxsi %parallel_loop3A_241, %parallel_loop3A_243 : vector<16xi32>
        %parallel_loop3A_245 = tpu.memref_slice %arg6[%multiple_of3A_223] : memref<8224xf32, #tpu.memory_space<vmem>> -> memref<2056xf32, #tpu.memory_space<vmem>>
        %parallel_loop3A_246 = tpu.vector_load_idx %parallel_loop3A_245[%parallel_loop3A_244] : memref<2056xf32, #tpu.memory_space<vmem>>[vector<16xi32>], vector<16xf32>,
        %parallel_loop3A_247 = tpu.memref_slice %arg7[%multiple_of3A_226] : memref<8192xf32, #tpu.memory_space<vmem>> -> memref<2048xf32, #tpu.memory_space<vmem>>
        %parallel_loop3A_248 = arith.index_cast %parallel_loop3A_237 : i32 to index
        %parallel_loop3A_249 = tpu.vector_load %parallel_loop3A_247[%parallel_loop3A_248] {strides = array<i32>} : memref<2048xf32, #tpu.memory_space<vmem>>, vector<16xf32>,
        tpu.vector_store %parallel_loop3A_247[%parallel_loop3A_248], %parallel_loop3A_246 {strides = array<i32>} : memref<2048xf32, #tpu.memory_space<vmem>>, vector<16xf32>,
      } {sc.loop_unroll_factor = 8 : i64, sc.parallel_access}
      %dma_start3A_229 = tpu.memref_slice %arg7[%multiple_of3A_226] : memref<8192xf32, #tpu.memory_space<vmem>> -> memref<2048xf32, #tpu.memory_space<vmem>>
      %dma_start3A_230 = arith.constant 0 : i32
      %dma_start3A_231 = tpu.memref_slice %arg4[%add3A_155, %dma_start3A_230] : memref<2048x2048xf32, #tpu.memory_space<hbm>> -> memref<1x2048xf32, #tpu.memory_space<hbm>>
      %dma_start3A_232 = tpu.memref_squeeze %dma_start3A_231 : memref<1x2048xf32, #tpu.memory_space<hbm>> -> memref<2048xf32, #tpu.memory_space<hbm>>
      %dma_start3A_233 = arith.constant 0 : i32
      %dma_start3A_234 = tpu.memref_slice %arg4[%add3A_155, %dma_start3A_233] : memref<2048x2048xf32, #tpu.memory_space<hbm>> -> memref<1x2048xf32, #tpu.memory_space<hbm>>
      %dma_start3A_235 = tpu.memref_squeeze %dma_start3A_234 : memref<1x2048xf32, #tpu.memory_space<hbm>> -> memref<2048xf32, #tpu.memory_space<hbm>>
      %dma_start3A_236 = tpu.memref_slice %arg7[%multiple_of3A_226] : memref<8192xf32, #tpu.memory_space<vmem>> -> memref<2048xf32, #tpu.memory_space<vmem>>
      tpu.enqueue_dma source(%dma_start3A_236 : memref<2048xf32, #tpu.memory_space<vmem>>) target(%dma_start3A_235 : memref<2048xf32, #tpu.memory_space<hbm>>) target_semaphore(%arg9 : memref<!tpu.dma_semaphore, #tpu.memory_space<semaphore_mem>>)
    }
    %scan3A_82 = arith.constant 64 : i32
    %multiple_of3A_83 = arith.constant 0 : i32
    %multiple_of3A_84 = tpu.assume_multiple %multiple_of3A_83, 8 : i32
    %dma_wait3A = tpu.memref_slice %arg6[%multiple_of3A_84] : memref<8224xf32, #tpu.memory_space<vmem>> -> memref<2056xf32, #tpu.memory_space<vmem>>
    %dma_wait3A_85 = arith.constant 0 : i32
    %dma_wait3A_86 = tpu.memref_slice %arg2[%dma_wait3A_85] : memref<2096128xf32, #tpu.memory_space<hbm>> -> memref<2056xf32, #tpu.memory_space<hbm>>
    %dma_wait3A_87 = tpu.memref_slice %arg6[%multiple_of3A_84] : memref<8224xf32, #tpu.memory_space<vmem>> -> memref<2056xf32, #tpu.memory_space<vmem>>
    %dma_wait3A_88 = arith.constant 0 : i32
    %dma_wait3A_89 = tpu.memref_slice %arg2[%dma_wait3A_88] : memref<2096128xf32, #tpu.memory_space<hbm>> -> memref<2056xf32, #tpu.memory_space<hbm>>
    tpu.wait_dma2 semaphore(%arg8 : memref<!tpu.dma_semaphore, #tpu.memory_space<semaphore_mem>>) src(%dma_wait3A_89 : memref<2056xf32, #tpu.memory_space<hbm>>) dst(%dma_wait3A_87 : memref<2056xf32, #tpu.memory_space<vmem>>)
    %multiple_of3A_90 = arith.constant 2056 : i32
    %multiple_of3A_91 = tpu.assume_multiple %multiple_of3A_90, 8 : i32
    %dma_wait3A_92 = tpu.memref_slice %arg6[%multiple_of3A_91] : memref<8224xf32, #tpu.memory_space<vmem>> -> memref<2056xf32, #tpu.memory_space<vmem>>
    %dma_wait3A_93 = arith.constant 0 : i32
    %dma_wait3A_94 = tpu.memref_slice %arg2[%dma_wait3A_93] : memref<2096128xf32, #tpu.memory_space<hbm>> -> memref<2056xf32, #tpu.memory_space<hbm>>
    %dma_wait3A_95 = tpu.memref_slice %arg6[%multiple_of3A_91] : memref<8224xf32, #tpu.memory_space<vmem>> -> memref<2056xf32, #tpu.memory_space<vmem>>
    %dma_wait3A_96 = arith.constant 0 : i32
    %dma_wait3A_97 = tpu.memref_slice %arg2[%dma_wait3A_96] : memref<2096128xf32, #tpu.memory_space<hbm>> -> memref<2056xf32, #tpu.memory_space<hbm>>
    tpu.wait_dma2 semaphore(%arg8 : memref<!tpu.dma_semaphore, #tpu.memory_space<semaphore_mem>>) src(%dma_wait3A_97 : memref<2056xf32, #tpu.memory_space<hbm>>) dst(%dma_wait3A_95 : memref<2056xf32, #tpu.memory_space<vmem>>)
    %multiple_of3A_98 = arith.constant 4112 : i32
    %multiple_of3A_99 = tpu.assume_multiple %multiple_of3A_98, 8 : i32
    %dma_wait3A_100 = tpu.memref_slice %arg6[%multiple_of3A_99] : memref<8224xf32, #tpu.memory_space<vmem>> -> memref<2056xf32, #tpu.memory_space<vmem>>
    %dma_wait3A_101 = arith.constant 0 : i32
    %dma_wait3A_102 = tpu.memref_slice %arg2[%dma_wait3A_101] : memref<2096128xf32, #tpu.memory_space<hbm>> -> memref<2056xf32, #tpu.memory_space<hbm>>
    %dma_wait3A_103 = tpu.memref_slice %arg6[%multiple_of3A_99] : memref<8224xf32, #tpu.memory_space<vmem>> -> memref<2056xf32, #tpu.memory_space<vmem>>
    %dma_wait3A_104 = arith.constant 0 : i32
    %dma_wait3A_105 = tpu.memref_slice %arg2[%dma_wait3A_104] : memref<2096128xf32, #tpu.memory_space<hbm>> -> memref<2056xf32, #tpu.memory_space<hbm>>
    tpu.wait_dma2 semaphore(%arg8 : memref<!tpu.dma_semaphore, #tpu.memory_space<semaphore_mem>>) src(%dma_wait3A_105 : memref<2056xf32, #tpu.memory_space<hbm>>) dst(%dma_wait3A_103 : memref<2056xf32, #tpu.memory_space<vmem>>)
    %multiple_of3A_106 = arith.constant 0 : i32
    %multiple_of3A_107 = tpu.assume_multiple %multiple_of3A_106, 8 : i32
    %add3A_108 = arith.constant 0 : i32
    %add3A_109 = arith.addi %multiple_of3A, %add3A_108 : i32
    %dma_wait3A_110 = tpu.memref_slice %arg7[%multiple_of3A_107] : memref<8192xf32, #tpu.memory_space<vmem>> -> memref<2048xf32, #tpu.memory_space<vmem>>
    %dma_wait3A_111 = arith.constant 0 : i32
    %dma_wait3A_112 = tpu.memref_slice %arg4[%add3A_109, %dma_wait3A_111] : memref<2048x2048xf32, #tpu.memory_space<hbm>> -> memref<1x2048xf32, #tpu.memory_space<hbm>>
    %dma_wait3A_113 = tpu.memref_squeeze %dma_wait3A_112 : memref<1x2048xf32, #tpu.memory_space<hbm>> -> memref<2048xf32, #tpu.memory_space<hbm>>
    %dma_wait3A_114 = arith.constant 0 : i32
    %dma_wait3A_115 = tpu.memref_slice %arg4[%add3A_109, %dma_wait3A_114] : memref<2048x2048xf32, #tpu.memory_space<hbm>> -> memref<1x2048xf32, #tpu.memory_space<hbm>>
    %dma_wait3A_116 = tpu.memref_squeeze %dma_wait3A_115 : memref<1x2048xf32, #tpu.memory_space<hbm>> -> memref<2048xf32, #tpu.memory_space<hbm>>
    %dma_wait3A_117 = tpu.memref_slice %arg7[%multiple_of3A_107] : memref<8192xf32, #tpu.memory_space<vmem>> -> memref<2048xf32, #tpu.memory_space<vmem>>
    tpu.wait_dma2 semaphore(%arg9 : memref<!tpu.dma_semaphore, #tpu.memory_space<semaphore_mem>>) src(%dma_wait3A_117 : memref<2048xf32, #tpu.memory_space<vmem>>) dst(%dma_wait3A_116 : memref<2048xf32, #tpu.memory_space<hbm>>)
    %multiple_of3A_118 = arith.constant 2048 : i32
    %multiple_of3A_119 = tpu.assume_multiple %multiple_of3A_118, 8 : i32
    %add3A_120 = arith.constant 1 : i32
    %add3A_121 = arith.addi %multiple_of3A, %add3A_120 : i32
    %dma_wait3A_122 = tpu.memref_slice %arg7[%multiple_of3A_119] : memref<8192xf32, #tpu.memory_space<vmem>> -> memref<2048xf32, #tpu.memory_space<vmem>>
    %dma_wait3A_123 = arith.constant 0 : i32
    %dma_wait3A_124 = tpu.memref_slice %arg4[%add3A_121, %dma_wait3A_123] : memref<2048x2048xf32, #tpu.memory_space<hbm>> -> memref<1x2048xf32, #tpu.memory_space<hbm>>
    %dma_wait3A_125 = tpu.memref_squeeze %dma_wait3A_124 : memref<1x2048xf32, #tpu.memory_space<hbm>> -> memref<2048xf32, #tpu.memory_space<hbm>>
    %dma_wait3A_126 = arith.constant 0 : i32
    %dma_wait3A_127 = tpu.memref_slice %arg4[%add3A_121, %dma_wait3A_126] : memref<2048x2048xf32, #tpu.memory_space<hbm>> -> memref<1x2048xf32, #tpu.memory_space<hbm>>
    %dma_wait3A_128 = tpu.memref_squeeze %dma_wait3A_127 : memref<1x2048xf32, #tpu.memory_space<hbm>> -> memref<2048xf32, #tpu.memory_space<hbm>>
    %dma_wait3A_129 = tpu.memref_slice %arg7[%multiple_of3A_119] : memref<8192xf32, #tpu.memory_space<vmem>> -> memref<2048xf32, #tpu.memory_space<vmem>>
    tpu.wait_dma2 semaphore(%arg9 : memref<!tpu.dma_semaphore, #tpu.memory_space<semaphore_mem>>) src(%dma_wait3A_129 : memref<2048xf32, #tpu.memory_space<vmem>>) dst(%dma_wait3A_128 : memref<2048xf32, #tpu.memory_space<hbm>>)
    %multiple_of3A_130 = arith.constant 4096 : i32
    %multiple_of3A_131 = tpu.assume_multiple %multiple_of3A_130, 8 : i32
    %add3A_132 = arith.constant 2 : i32
    %add3A_133 = arith.addi %multiple_of3A, %add3A_132 : i32
    %dma_wait3A_134 = tpu.memref_slice %arg7[%multiple_of3A_131] : memref<8192xf32, #tpu.memory_space<vmem>> -> memref<2048xf32, #tpu.memory_space<vmem>>
    %dma_wait3A_135 = arith.constant 0 : i32
    %dma_wait3A_136 = tpu.memref_slice %arg4[%add3A_133, %dma_wait3A_135] : memref<2048x2048xf32, #tpu.memory_space<hbm>> -> memref<1x2048xf32, #tpu.memory_space<hbm>>
    %dma_wait3A_137 = tpu.memref_squeeze %dma_wait3A_136 : memref<1x2048xf32, #tpu.memory_space<hbm>> -> memref<2048xf32, #tpu.memory_space<hbm>>
    %dma_wait3A_138 = arith.constant 0 : i32
    %dma_wait3A_139 = tpu.memref_slice %arg4[%add3A_133, %dma_wait3A_138] : memref<2048x2048xf32, #tpu.memory_space<hbm>> -> memref<1x2048xf32, #tpu.memory_space<hbm>>
    %dma_wait3A_140 = tpu.memref_squeeze %dma_wait3A_139 : memref<1x2048xf32, #tpu.memory_space<hbm>> -> memref<2048xf32, #tpu.memory_space<hbm>>
    %dma_wait3A_141 = tpu.memref_slice %arg7[%multiple_of3A_131] : memref<8192xf32, #tpu.memory_space<vmem>> -> memref<2048xf32, #tpu.memory_space<vmem>>
    tpu.wait_dma2 semaphore(%arg9 : memref<!tpu.dma_semaphore, #tpu.memory_space<semaphore_mem>>) src(%dma_wait3A_141 : memref<2048xf32, #tpu.memory_space<vmem>>) dst(%dma_wait3A_140 : memref<2048xf32, #tpu.memory_space<hbm>>)
    %multiple_of3A_142 = arith.constant 6144 : i32
    %multiple_of3A_143 = tpu.assume_multiple %multiple_of3A_142, 8 : i32
    %add3A_144 = arith.constant 3 : i32
    %add3A_145 = arith.addi %multiple_of3A, %add3A_144 : i32
    %dma_wait3A_146 = tpu.memref_slice %arg7[%multiple_of3A_143] : memref<8192xf32, #tpu.memory_space<vmem>> -> memref<2048xf32, #tpu.memory_space<vmem>>
    %dma_wait3A_147 = arith.constant 0 : i32
    %dma_wait3A_148 = tpu.memref_slice %arg4[%add3A_145, %dma_wait3A_147] : memref<2048x2048xf32, #tpu.memory_space<hbm>> -> memref<1x2048xf32, #tpu.memory_space<hbm>>
    %dma_wait3A_149 = tpu.memref_squeeze %dma_wait3A_148 : memref<1x2048xf32, #tpu.memory_space<hbm>> -> memref<2048xf32, #tpu.memory_space<hbm>>
    %dma_wait3A_150 = arith.constant 0 : i32
    %dma_wait3A_151 = tpu.memref_slice %arg4[%add3A_145, %dma_wait3A_150] : memref<2048x2048xf32, #tpu.memory_space<hbm>> -> memref<1x2048xf32, #tpu.memory_space<hbm>>
    %dma_wait3A_152 = tpu.memref_squeeze %dma_wait3A_151 : memref<1x2048xf32, #tpu.memory_space<hbm>> -> memref<2048xf32, #tpu.memory_space<hbm>>
    %dma_wait3A_153 = tpu.memref_slice %arg7[%multiple_of3A_143] : memref<8192xf32, #tpu.memory_space<vmem>> -> memref<2048xf32, #tpu.memory_space<vmem>>
    tpu.wait_dma2 semaphore(%arg9 : memref<!tpu.dma_semaphore, #tpu.memory_space<semaphore_mem>>) src(%dma_wait3A_153 : memref<2048xf32, #tpu.memory_space<vmem>>) dst(%dma_wait3A_152 : memref<2048xf32, #tpu.memory_space<hbm>>)
    return
  }
}

module attributes {stable_mosaic.version = 14 : i64} {
  func.func @_dense_body(%arg0: i32, %arg1: i32, %arg2: memref<1x1xf32, #tpu.memory_space<smem>>, %arg3: memref<256x16xf32, #tpu.memory_space<vmem>>, %arg4: memref<512x16xf32, #tpu.memory_space<vmem>>, %arg5: memref<256x512xf32, #tpu.memory_space<vmem>>, %arg6: memref<8x512xi32, #tpu.memory_space<vmem>>, %arg7: memref<256x512xf32, #tpu.memory_space<vmem>>) attributes {dimension_semantics = [#tpu.dimension_semantics<arbitrary>, #tpu.dimension_semantics<arbitrary>], iteration_bounds = array<i64: 8, 4>, scalar_prefetch = 0 : i64, scratch_operands = 0 : i64, tpu.core_type = #tpu.core_type<tc>, window_params = [{transform_indices = @transform_0, window_bounds = array<i64: 1, 1>}, {transform_indices = @transform_1, window_bounds = array<i64: 256, 16>}, {transform_indices = @transform_2, window_bounds = array<i64: 512, 16>}, {transform_indices = @transform_3, window_bounds = array<i64: 256, 512>}, {transform_indices = @transform_4, window_bounds = array<i64: 8, 512>}, {transform_indices = @transform_5, window_bounds = array<i64: 256, 512>}]} {
    %get3A = arith.constant 0 : index
    %get3A_0 = arith.constant 0 : index
    %get3A_1 = memref.load %arg2[%get3A, %get3A_0] : memref<1x1xf32, #tpu.memory_space<smem>>
    %get3A_2 = arith.constant 0 : index
    %get3A_3 = arith.constant 0 : index
    %get3A_4 = vector.load %arg3[%get3A_2, %get3A_3] : memref<256x16xf32, #tpu.memory_space<vmem>>, vector<256x16xf32>
    %get3A_5 = arith.constant 0 : index
    %get3A_6 = arith.constant 0 : index
    %get3A_7 = vector.load %arg4[%get3A_5, %get3A_6] : memref<512x16xf32, #tpu.memory_space<vmem>>, vector<512x16xf32>
    %mul3A = arith.mulf %get3A_4, %get3A_4 : vector<256x16xf32>
    %reduce_sum3A = arith.constant dense<0.000000e+00> : vector<256xf32>
    %reduce_sum3A_8 = vector.multi_reduction <add>, %mul3A, %reduce_sum3A [1] : vector<256x16xf32> to vector<256xf32>
    %broadcast_in_dim3A = vector.shape_cast %reduce_sum3A_8 : vector<256xf32> to vector<256x1xf32>
    %mul3A_9 = arith.mulf %get3A_7, %get3A_7 : vector<512x16xf32>
    %reduce_sum3A_10 = arith.constant dense<0.000000e+00> : vector<512xf32>
    %reduce_sum3A_11 = vector.multi_reduction <add>, %mul3A_9, %reduce_sum3A_10 [1] : vector<512x16xf32> to vector<512xf32>
    %broadcast_in_dim3A_12 = vector.shape_cast %reduce_sum3A_11 : vector<512xf32> to vector<1x512xf32>
    %dot_general3A = arith.constant dense<0.000000e+00> : vector<256x512xf32>
    %dot_general3A_13 = tpu.matmul %get3A_4, %get3A_7, %dot_general3A {dimension_numbers = #tpu.dot_dimension_numbers<[1], [1], [0], [0], [0, 0, 1, 0], [], []>, transpose_lhs_hint = false} : vector<256x16xf32>, vector<512x16xf32>, vector<256x512xf32> -> vector<256x512xf32>
    %add3A = vector.broadcast %broadcast_in_dim3A : vector<256x1xf32> to vector<256x512xf32>
    %add3A_14 = vector.broadcast %broadcast_in_dim3A_12 : vector<1x512xf32> to vector<256x512xf32>
    %add3A_15 = arith.addf %add3A, %add3A_14 : vector<256x512xf32>
    %mul3A_16 = arith.constant 2.000000e+00 : f32
    %mul3A_17 = vector.broadcast %mul3A_16 : f32 to vector<256x512xf32>
    %mul3A_18 = arith.mulf %mul3A_17, %dot_general3A_13 : vector<256x512xf32>
    %sub3A = arith.subf %add3A_15, %mul3A_18 : vector<256x512xf32>
    %max3A = arith.constant 0.000000e+00 : f32
    %max3A_19 = vector.broadcast %max3A : f32 to vector<256x512xf32>
    %max3A_20 = arith.maximumf %sub3A, %max3A_19 : vector<256x512xf32>
    %mul3A_21 = vector.broadcast %get3A_1 : f32 to vector<256x512xf32>
    %mul3A_22 = arith.mulf %max3A_20, %mul3A_21 : vector<256x512xf32>
    %exp3A = math.exp %mul3A_22 : vector<256x512xf32>
    %sub3A_23 = arith.constant 1.000000e+00 : f32
    %sub3A_24 = vector.broadcast %sub3A_23 : f32 to vector<256x512xf32>
    %sub3A_25 = arith.subf %sub3A_24, %exp3A : vector<256x512xf32>
    %max3A_26 = arith.constant 9.99999968E-21 : f32
    %max3A_27 = vector.broadcast %max3A_26 : f32 to vector<256x512xf32>
    %max3A_28 = arith.maximumf %sub3A_25, %max3A_27 : vector<256x512xf32>
    %log3A = math.log %max3A_28 : vector<256x512xf32>
    %sub3A_29 = arith.subf %mul3A_22, %log3A : vector<256x512xf32>
    %get3A_30 = arith.constant 0 : index
    %get3A_31 = arith.constant 0 : index
    %get3A_32 = vector.load %arg5[%get3A_30, %get3A_31] : memref<256x512xf32, #tpu.memory_space<vmem>>, vector<256x512xf32>
    %add3A_33 = arith.addf %sub3A_29, %get3A_32 : vector<256x512xf32>
    %div3A = arith.constant 3.000000e-01 : f32
    %div3A_34 = vector.broadcast %div3A : f32 to vector<256x512xf32>
    %div3A_35 = arith.divf %add3A_33, %div3A_34 : vector<256x512xf32>
    %logistic3A = arith.negf %div3A_35 : vector<256x512xf32>
    %logistic3A_36 = math.exp %logistic3A : vector<256x512xf32>
    %logistic3A_37 = arith.constant 1.000000e+00 : f32
    %logistic3A_38 = vector.broadcast %logistic3A_37 : f32 to vector<256x512xf32>
    %logistic3A_39 = arith.addf %logistic3A_38, %logistic3A_36 : vector<256x512xf32>
    %logistic3A_40 = arith.divf %logistic3A_38, %logistic3A_39 : vector<256x512xf32>
    %mul3A_41 = arith.constant 256 : i32
    %mul3A_42 = arith.muli %arg0, %mul3A_41 : i32
    %iota3A = tpu.iota {dimensions = array<i32: 0>} : vector<256x512xi32>
    %add3A_43 = vector.broadcast %mul3A_42 : i32 to vector<256x512xi32>
    %add3A_44 = arith.addi %add3A_43, %iota3A : vector<256x512xi32>
    %get3A_45 = arith.constant 0 : index
    %get3A_46 = arith.constant 0 : index
    %get3A_47 = vector.load %arg6[%get3A_45, %get3A_46] : memref<8x512xi32, #tpu.memory_space<vmem>>, vector<1x512xi32>
    %lt3A = vector.broadcast %get3A_47 : vector<1x512xi32> to vector<256x512xi32>
    %lt3A_48 = arith.cmpi slt, %add3A_44, %lt3A : vector<256x512xi32>
    %jit3A = arith.constant 0.000000e+00 : f32
    %broadcast_in_dim3A_49 = vector.broadcast %jit3A : f32 to vector<256x512xf32>
    %select_n3A = arith.select %lt3A_48, %logistic3A_40, %broadcast_in_dim3A_49 : vector<256x512xi1>, vector<256x512xf32>
    %swap3A = arith.constant 0 : index
    %swap3A_50 = arith.constant 0 : index
    %swap3A_51 = vector.load %arg7[%swap3A, %swap3A_50] : memref<256x512xf32, #tpu.memory_space<vmem>>, vector<256x512xf32>
    tpu.vector_store %arg7[%swap3A, %swap3A_50], %select_n3A {strides = array<i32>} : memref<256x512xf32, #tpu.memory_space<vmem>>, vector<256x512xf32>,
    return
  }
  func.func @transform_0(%arg0: i32, %arg1: i32) -> (i32, i32) {
    %c0_i32 = arith.constant 0 : i32
    %c0_i32_0 = arith.constant 0 : i32
    %c0_i32_1 = arith.constant 0 : i32
    return %c0_i32, %c0_i32_0 : i32, i32
  }
  func.func @transform_1(%arg0: i32, %arg1: i32) -> (i32, i32) {
    %c0_i32 = arith.constant 0 : i32
    %c0_i32_0 = arith.constant 0 : i32
    return %arg0, %c0_i32 : i32, i32
  }
  func.func @transform_2(%arg0: i32, %arg1: i32) -> (i32, i32) {
    %c0_i32 = arith.constant 0 : i32
    %c0_i32_0 = arith.constant 0 : i32
    return %arg1, %c0_i32 : i32, i32
  }
  func.func @transform_3(%arg0: i32, %arg1: i32) -> (i32, i32) {
    %c0_i32 = arith.constant 0 : i32
    return %arg0, %arg1 : i32, i32
  }
  func.func @transform_4(%arg0: i32, %arg1: i32) -> (i32, i32) {
    %c0_i32 = arith.constant 0 : i32
    %c0_i32_0 = arith.constant 0 : i32
    return %c0_i32, %arg1 : i32, i32
  }
  func.func @transform_5(%arg0: i32, %arg1: i32) -> (i32, i32) {
    %c0_i32 = arith.constant 0 : i32
    return %arg0, %arg1 : i32, i32
  }
}

</mosaic_0001>

<sc_bundles>
// kernel: gather_offload_async_start
scs
__scs_entry_jumppad:
0x0: {  	(pc) =	sbr.rel $0x88, $3  }
0x1: {  	(tag) =	ssettag $0x0;
	lr =	simm.s32 $0x1  }
0x2: {  	[smem:$0x3F9E] =	sst lr;
	_ =	strace $0xD0000000  }
0x3: {  	_ = 	snop  }
0x4: {  	_ = 	snop  }
0x5: {  	_ = 	snop  }
0x6: {  	_ = 	snop  }
0x7: {  	_ = 	snop  }
__scs_overlays_trampoline_lowered:
0x8: {  	[smem:$0x3FAD] =	sst s0  }
0x9: {  	[smem:$0x3FAE] =	sst s1  }
0xa: {  	[smem:$0x3FAF] =	sst s2  }
0xb: {  	[smem:$0x3FB0] =	sst s3  }
0xc: {  	[smem:$0x3FB1] =	sst s4  }
0xd: {  	[smem:$0x3FB2] =	sst s5  }
0xe: {  	[smem:$0x3FB3] =	sst s6  }
0xf: {  	[smem:$0x3FB4] =	sst s7  }
0x10: {  	[smem:$0x3FB5] =	sst s8  }
0x11: {  	[smem:$0x3FB6] =	sst s9;
	s0 =	simm.s32 @!p0 $0x0  }
0x12: {  	s1 =	sld [smem:$0x3F9C];
	s0 =	simm.s32 @p0 $0x1  }
0x13: {  	[smem:$0x3FB7] =	sst s0;
	s0 =	simm.s32 @!p1 $0x0  }
0x14: {  	s2 =	sld [smem:$0x3F9B];
	s0 =	simm.s32 @p1 $0x1  }
0x15: {  	[smem:$0x3FB8] =	sst s0;
	s0 =	simm.s32 @!p2 $0x0  }
0x16: {  	s3 =	sld [smem:$0x3FDB];
	s0 =	simm.s32 @p2 $0x1  }
0x17: {  	s4 =	simm.s32 $0x1BF5;
	[smem:$0x3FBA] =	sst s0  }
0x18: {  	s0 =	sld [smem:$0x3F9D];
	_ =	swait.ge [sflag:s4], $0x0  }
0x19: {  	s7 =	sld [smem:$0x3F9E]  }
0x1a: {  	s8 =	sadd.s32 $0xFFFFE003, lr  }
0x1b: {  	s9 =	sadd.s32 $0xFFFFFEF7, lr;
	s5 =	simm.s32 $0xFFFFFFFF;
	p2 =	slt.u32 s8, $0xFFFFF086  }
0x1c: {  	p1 =	slt.u32 s9, $0xF7A;
	s5 =	simm.s32 @!p2 $0x0  }
0x1d: {  	s5 =	simm.s32 @p1 $0x1;
	p0 =	seq.s32 s7, s2  }
0x1e: {  	s7 =	smul.u32 @!p0 $0xF7A, s2;
	p2 =	seq.s32 @!p0 s5, $0x0  }
0x1f: {  	s9 =	smul.u32 $0xF7A, s1;
	s8 =	simm.s32 @!p0 $0x1BF5;
	p2 =	por !p2, p0  }
0x20: {  	[sflag:s8] =	ssyncset.s32 @!p0 $0xFFFFF086;
	s6 =	sadd.s32 @!p0 s3, s7;
	s7 =	simm.s32 @!p0 $0x108  }
0x21: {  	s3 =	sadd.s32 s3, s9;
	s6 =	sadd.s32 @!p0 $0x88, s6;
	s7 =	simm.s32 @p2 $0x1082  }
0x22: {  	[simem:s7], [sflag:s8] =	dma.local @!p0 [hbm:s6], $0xF7A  }
0x23: {  	s9 =	sor.u32 $0xD0000000, s2;
	s6 =	simm.s32 $0x108;
	_ =	swait.ge @!p0 [sflag:s8], $0x0  }
0x24: {  	s3 =	sadd.s32 $0x88, s3;
	s6 =	simm.s32 @!p1 $0x1082;
	[sflag:s4] =	ssyncset.s32 $0xFFFFF086  }
0x25: {  	[simem:s6], [sflag:s4] =	dma.local [hbm:s3], $0xF7A  }
0x26: {  	[smem:$0x3F9E] =	sst s1;
	(tag) =	ssettag s2;
	_ =	strace s9  }
0x27: {  	s1 =	sld [smem:$0x3FAE]  }
0x28: {  	s2 =	sld [smem:$0x3FAF]  }
0x29: {  	s4 =	sld [smem:$0x3FB1]  }
0x2a: {  	p0 =	seq.s32 s5, $0x0;
	s5 =	sld [smem:$0x3FB2]  }
0x2b: {  	s6 =	sld [smem:$0x3FB3]  }
0x2c: {  	s7 =	sld [smem:$0x3FB4]  }
0x2d: {  	s3 =	simm.s32 $0x108;
	s8 =	sld [smem:$0x3FB5]  }
0x2e: {  	s3 =	simm.s32 @!p0 $0x1082;
	s9 =	sld [smem:$0x3FB6]  }
0x2f: {  	lr =	sadd.s32 s0, s3;
	s0 =	sld [smem:$0x3FAD]  }
0x30: {  	s3 =	sld [smem:$0x3FB0]  }
0x31: {  	[smem:$0x3FB9] =	sst s10  }
0x32: {  	s10 =	sld [smem:$0x3FB7];
	_ =	sdelay $0x3  }
0x33: {  	p0 =	seq.s32 s10, $0x1;
	s10 =	sld [smem:$0x3FB9];
	_ =	sdelay $0x3  }
0x34: {  	[smem:$0x3FB9] =	sst s10  }
0x35: {  	s10 =	sld [smem:$0x3FB8];
	_ =	sdelay $0x3  }
0x36: {  	p1 =	seq.s32 s10, $0x1;
	s10 =	sld [smem:$0x3FB9];
	_ =	sdelay $0x3  }
0x37: {  	[smem:$0x3FB9] =	sst s10  }
0x38: {  	s10 =	sld [smem:$0x3FBA]  }
0x39: {  	_ = 	snop;
	(pc) =	sbr.ind lr, $3  }
0x3a: {  	_ = 	snop  }
0x3b: {  	_ = 	snop  }
0x3c: {  	p2 =	seq.s32 s10, $0x1;
	s10 =	sld [smem:$0x3FB9]  }
0x3d: {  	_ =	shalt  }
0x3e: {  	_ =	shalt  }
0x3f: {  	_ =	shalt  }
0x40: {  	_ =	shalt  }
0x41: {  	_ =	shalt  }
0x42: {  	_ =	shalt  }
0x43: {  	_ =	shalt  }
0x44: {  	_ =	shalt  }
0x45: {  	_ =	shalt  }
0x46: {  	_ =	shalt  }
0x47: {  	_ =	shalt  }
0x48: {  	_ =	shalt  }
0x49: {  	_ =	shalt  }
0x4a: {  	_ =	shalt  }
0x4b: {  	_ =	shalt  }
0x4c: {  	_ =	shalt  }
0x4d: {  	_ =	shalt  }
0x4e: {  	_ =	shalt  }
0x4f: {  	_ =	shalt  }
0x50: {  	_ =	shalt  }
0x51: {  	_ =	shalt  }
0x52: {  	_ =	shalt  }
0x53: {  	_ =	shalt  }
0x54: {  	_ =	shalt  }
0x55: {  	_ =	shalt  }
0x56: {  	_ =	shalt  }
0x57: {  	_ =	shalt  }
0x58: {  	_ =	shalt  }
0x59: {  	_ =	shalt  }
0x5a: {  	_ =	shalt  }
0x5b: {  	_ =	shalt  }
0x5c: {  	_ =	shalt  }
0x5d: {  	_ =	shalt  }
0x5e: {  	_ =	shalt  }
0x5f: {  	_ =	shalt  }
0x60: {  	_ =	shalt  }
0x61: {  	_ =	shalt  }
0x62: {  	_ =	shalt  }
0x63: {  	_ =	shalt  }
0x64: {  	_ =	shalt  }
0x65: {  	_ =	shalt  }
0x66: {  	_ =	shalt  }
0x67: {  	_ =	shalt  }
0x68: {  	_ =	shalt  }
0x69: {  	_ =	shalt  }
0x6a: {  	_ =	shalt  }
0x6b: {  	_ =	shalt  }
0x6c: {  	_ =	shalt  }
0x6d: {  	_ =	shalt  }
0x6e: {  	_ =	shalt  }
0x6f: {  	_ =	shalt  }
0x70: {  	_ =	shalt  }
0x71: {  	_ =	shalt  }
0x72: {  	_ =	shalt  }
0x73: {  	_ =	shalt  }
0x74: {  	_ =	shalt  }
0x75: {  	_ =	shalt  }
0x76: {  	_ =	shalt  }
0x77: {  	_ =	shalt  }
0x78: {  	_ =	shalt  }
0x79: {  	_ =	shalt  }
0x7a: {  	_ =	shalt  }
0x7b: {  	_ =	shalt  }
0x7c: {  	_ =	shalt  }
0x7d: {  	_ =	shalt  }
0x7e: {  	_ =	shalt  }
0x7f: {  	_ =	shalt  }
0x80: {  	_ =	shalt  }
0x81: {  	_ =	shalt  }
0x82: {  	_ =	shalt  }
0x83: {  	_ =	shalt  }
0x84: {  	_ =	shalt  }
0x85: {  	_ =	shalt  }
0x86: {  	_ =	shalt  }
0x87: {  	_ =	shalt  }
.Lfunc_end0:
.L_simem_size_0:
called_computation_lowered:
.L_overlay_start_0:
0x88: {  	s2 =	sld [smem:$0x3FD9]  }
0x89: {  	s3 =	sld [smem:$0x3FFE];
	_ =	sdelay $0x1  }
0x8a: {  	s1 =	srdreg.scid  }
0x8b: {  	s0 =	sand.u32 $0x1, s1  }
0x8c: {  	s16 =	sshll.u32 s0, $0xA;
	s2 =	sadd.s32 s3, s2  }
0x8d: {  	s2 =	sadd.s32 s2, s16  }
0x8e: {  	[smem:$0x3FC5] =	sst s2  }
0x8f: {  	_ = 	snop  }
0x90: {  	(tm) =	ssettm $0x1  }
0x91: {  	s17 =	sld [smem:$0x3FFB];
	_ =	sdelay $0x3  }
0x92: {  	_ =	strace s17  }
0x93: {  	s2 =	sld [smem:$0x3FFC];
	_ =	sdelay $0x3  }
0x94: {  	_ =	strace s2  }
0x95: {  	s2 =	sld [smem:$0x3FFD];
	_ =	sdelay $0x3  }
0x96: {  	_ =	strace s2  }
0x97: {  	_ =	strace $0x8FFFFFFF  }
0x98: {  	s18 =	sld [smem:$0x3FDB];
	_ =	sdelay $0x1  }
0x99: {  	s19 =	simm.s32 $_scs_section_size  }
0x9a: {  	s4 =	simm.s32 $_size__tile_overlayer_lowered;
	s5 =	simm.s32 $_tile_overlayer_lowered  }
0x9b: {  	s22 =	simm.s32 $0x1BFF;
	s21 =	sshll.u32 s5, $0x1;
	s2 =	sadd.s32 s19, s18  }
0x9c: {  	s6 =	simm.s32 $0x0;
	s20 =	sshll.u32 s4, $0x1;
	s4 =	sadd.s32 s21, s2  }
0x9d: {  	[timem:s6], [sflag:s22] =	dma.local [hbm:s4], s20  }
0x9e: {  	_ =	swait.ge [sflag:s22], s20  }
0x9f: {  	s3 =	ssub.s32 $0x0, s20;
	[sflag:s22] =	ssyncset.done $0x0  }
0xa0: {  	[sflag:s22] =	ssyncadd.s32 s3;
	_ =	sdelay $0x1  }
0xa1: {  	s23 =	simm.s32 $0x1B8B  }
0xa2: {  	_ =	swait.ge [sflag:s23], $0x1  }
0xa3: {  	[sflag:s23] =	ssyncset.done $0x0  }
0xa4: {  	s25 =	simm.s32 $0x1B8E;
	s24 =	sld [smem:$0x3FFE];
	[sflag:s23] =	ssyncadd.s32 $0xFFFFFFFF  }
0xa5: {  	s26 =	simm.s32 $execute0_lowered;
	[smem:$0x3FD2] =	sst s25  }
0xa6: {  	s4 =	sshll.u32 s26, $0x1;
	_ =	strace $0x80000046;
	[dreg:$0x1] =	wrdreg $0xFFFFFFFF  }
0xa7: {  	s28 =	simm.s32 $_size_execute0_lowered;
	s2 =	sadd.s32 s2, s4;
	[dreg:$0x0] =	wrdreg $0x0  }
0xa8: {  	s4 =	sshll.u32 s28, $0x1;
	[dreg:$0x2] =	wrdreg s2  }
0xa9: {  	[dreg:$0x3] =	wrdreg s4  }
0xaa: {  	[dreg:$0x4] =	wrdreg $0xC0  }
0xab: {  	_ =	task [dreg:s6], $0x5FFFF  }
0xac: {  	[dreg:$0x1] =	wrdreg $0xFFFFFFFF  }
0xad: {  	[dreg:$0x0] =	wrdreg $0x60  }
0xae: {  	[dreg:$0x2] =	wrdreg s24  }
0xaf: {  	[dreg:$0x3] =	wrdreg $0x9  }
0xb0: {  	_ =	task.clear_ibuf [dreg:s6], $0x4FFFF;
	_ =	strace $0x90000046  }
0xb1: {  	s29 =	simm.s32 $0x9;
	_ =	strace $0x80000048  }
0xb2: {  	_ =	swait.ge [sflag:s29], $0x1  }
0xb3: {  	[sflag:s29] =	ssyncadd.s32 $0xFFFFFFFF  }
0xb4: {  	_ =	strace $0x90000048  }
0xb5: {  	_ =	sfence  }
0xb6: {  	s30 =	sld [smem:$0x0];
	_ =	sdelay $0x2  }
0xb7: {  	s31 =	sshll.u32 s1, $0xD;
	s1 =	sshrl.u32 s1, $0x2  }
0xb8: {  	s3 =	sand.u32 $0x4000, s31;
	s1 =	sadd.s32 s1, s30  }
0xb9: {  	s0 =	sor.u32 s3, s0;
	s1 =	sshll.u32 s1, $0x11  }
0xba: {  	s0 =	sor.u32 s1, s0  }
0xbb: {  	s0 =	sadd.s32 $0x8F2B, s0  }
0xbc: {  	[sflag:s0] =	ssyncadd.remote.s32 $0x1  }
0xbd: {  	_ =	sfence.sel $0xFFFF  }
0xbe: {  	[dreg:$0x0] =	wrdreg $0xFFFFFFFF;
	(pc) =	sbr.abs _section_cstart, $3  }
0xbf: {  	[dreg:$0x1] =	wrdreg $0xFFFFFFFF  }
0xc0: {  	_ =	task.clear_ibuf [dreg:s6], $0x2FFFF;
	_ =	strace $0x9FFFFFFF  }
0xc1: {  	(tm) =	ssettm $0x7FFFFFFF  }
tec
execute0_lowered:
.L_overlay_start_1:
0x0: {  	(tag) =	ssettag $0x1  }
0x1: {  	s2 =	rddreg [dreg:$0x0]  }
0x2: {  	s0 =	rddreg [dreg:$0x1]  }
0x3: {  	s1 =	srdreg.scid;
	_ =	strace $0x80000047;
	s4 =	simm.s32 $0x1  }
0x4: {  	s9 =	simm.s32 $0x3;
	s12 =	simm.s32 $0x0;
	s5 =	sshll.u32 s1, $0x4  }
.Ltmp0:
0x5: {  	s1 =	stileid.u32;
	s5 =	sand.u32 $0x10, s5;
	(pc) =	sbr.rel .LBB2_1-.Ltmp0, $4  }
0x6: {  	s10 =	simm.s32 $0x0;
	s3 =	sadd.s32 $0x8000, s2;
	s6 =	sor.u32 s1, s5  }
0x7: {  	[sflag:s4] =	ssyncpa.u1 $0x0;
	s5 =	simm.s32 $0x2;
	s6 =	sshll.u32 s6, $0x6  }
0x8: {  	s7 =	sadd.s32 $0x8200, s2;
	[sflag:s5] =	ssyncpa.u1 $0x0;
	s8 =	sadd.s32 $0x40, s6  }
0x9: {  	vm0 =	vmmov $0xff;
	vm1 =	vcmask $0x3F20;
	[sflag:s9] =	ssyncpa.u1 $0x0;
	s9 =	simm.s32 $0x40;
	s11 =	smov.u32 s6  }
.LBB2_9:
0xa: {  	p0 =	seq.s32 s10, $0x2  }
.Ltmp1:
0xb: {  	_ = 	snop;
	(pc) =	sbr.rel @p0 .LBB2_11-.Ltmp1, $1  }
0xc: {  	_ =	sdelay $0x3  }
.LBB2_10:
0xd: {  	s12 =	sadd.s32 $0x40, s11  }
0xe: {  	s13 =	smov.u32 s6;
	p0 =	slt.s32 s12, s8  }
0xf: {  	s13 =	smov.u32 @p0 s12  }
0x10: {  	s10 =	sadd.s32 $0x1, s10;
	s12 =	smov.u32 s11;
	s11 =	smov.u32 s13  }
.LBB2_1:
0x11: {  	p0 =	sne.s32 s10, $0x0  }
.Ltmp2:
0x12: {  	_ = 	snop;
	(pc) =	sbr.rel @!p0 .LBB2_2-.Ltmp2, $1  }
0x13: {  	_ =	sdelay $0x3  }
0x14: {  	s13 =	sand.u32 $0x1, s10  }
0x15: {  	p0 =	seq.s32 s13, $0x0  }
.Ltmp3:
0x16: {  	_ = 	snop;
	(pc) =	sbr.rel @p0 .LBB2_9-.Ltmp3, $1  }
0x17: {  	_ =	sdelay $0x3  }
0x18: {  	_ =	swait.ge [sflag:s5], $0x40  }
0x19: {  	[sflag:s5] =	ssyncset.done $0x0  }
0x1a: {  	s13 =	simm.s32 $0x0;
	[sflag:s5] =	ssyncadd.s32 $0xFFFFFFC0  }
0x1b: {  	v0 =	vld.msk [tilespmem:s13+$0x40 ss:$0x1], $0xffff;
	_ =	sdelay $0x4  }
0x1c: {  	vm2 =	vgt.s32 v0, $0x0  }
0x1d: {  	v0 =	vnsel vm2, $0x0, v0  }
0x1e: {  	v0 =	vmin.u32 v0, $0x7FF  }
0x1f: {  	v0 =	vshll.u32 v0, $0x4;
	_ =	sdelay $0x3  }
0x20: {  	s13 =	simm.s32 $0x2080  }
0x21: {  	[tilespmem:s13], [sflag:$0x1] =	stream.indirect_vreg.gather [hbm:s2], $0x80, v0, vm0, $0x38;
	[tilespmem:$0x4080] =	vst v63  }
0x22: {  	s14 =	simm.s32 $0x2480;
	s31 =	simm.s32 $0x10  }
0x23: {  	[tilespmem:s14], [sflag:$0x1] =	stream.indirect_vreg.gather [hbm:s2], $0x80, v0, vm1, $0x38;
	[tilespmem:$0x4080] =	vst v63  }
0x24: {  	s14 =	simm.s32 $0x80;
	v0 =	vld.msk [tilespmem:s31+$0x40 ss:$0x1], $0xffff  }
.LBB2_5:
0x25: {  	p0 =	sne.s32 s14, $0xC0;
	_ =	sdelay $0x4  }
0x26: {  	vm2 =	vgt.s32 v0, $0x0  }
0x27: {  	v0 =	vnsel vm2, $0x0, v0  }
0x28: {  	v0 =	vmin.u32 v0, $0x7FF  }
0x29: {  	v0 =	vshll.u32 v0, $0x4;
	_ =	sdelay $0x3  }
.Ltmp4:
0x2a: {  	s13 =	sadd.s32 $0x800, s13;
	(pc) =	sbr.rel @p0 .LBB2_5-.Ltmp4, $4  }
0x2b: {  	[tilespmem:s13], [sflag:$0x1] =	stream.indirect_vreg.gather [hbm:s2], $0x80, v0, vm0, $0x38;
	[tilespmem:$0x4080] =	vst v63  }
0x2c: {  	s15 =	sshra.s32 s14, $0x2;
	s16 =	sadd.s32 $0x400, s13  }
0x2d: {  	[tilespmem:s16], [sflag:$0x1] =	stream.indirect_vreg.gather [hbm:s2], $0x80, v0, vm1, $0x38;
	[tilespmem:$0x4080] =	vst v63  }
0x2e: {  	s14 =	sadd.s32 $0x40, s14;
	v0 =	vld.msk [tilespmem:s15+$0x40 ss:$0x1], $0xffff  }
0x2f: {  	_ =	sdelay $0x3  }
0x30: {  	vm2 =	vgt.s32 v0, $0x0  }
0x31: {  	v0 =	vnsel vm2, $0x0, v0  }
0x32: {  	v0 =	vmin.u32 v0, $0x7FF  }
0x33: {  	v0 =	vshll.u32 v0, $0x4;
	_ =	sdelay $0x3  }
0x34: {  	s13 =	sadd.s32 $0x800, s13  }
0x35: {  	[tilespmem:s13], [sflag:$0x1] =	stream.indirect_vreg.gather [hbm:s2], $0x80, v0, vm0, $0x38;
	[tilespmem:$0x4080] =	vst v63  }
0x36: {  	s13 =	sadd.s32 $0x400, s13  }
0x37: {  	[tilespmem:s13], [sflag:$0x1] =	stream.indirect_vreg.gather [hbm:s2], $0x80, v0, vm1, $0x38;
	[tilespmem:$0x4080] =	vst v63  }
0x38: {  	s12 =	sshll.u32 s12, $0x4;
	s14 =	simm.s32 $0x80;
	_ =	swait.ge [sflag:s4], $0x2000  }
0x39: {  	s15 =	simm.s32 $0x2480;
	s12 =	sadd.s32 s12, s7;
	[sflag:s4] =	ssyncset.done $0x0  }
0x3a: {  	s16 =	sadd.s32 $0x0, s12;
	s13 =	simm.s32 $0x2080;
	[sflag:s4] =	ssyncadd.s32 $0xFFFFE000  }
.LBB2_7:
0x3b: {  	[hbm:s16] =	stream.linear.scatter [tilespmem:s13], [sflag:$0x3], $0x400, $0x38;
	[tilespmem:$0x4080] =	vst v63  }
0x3c: {  	s16 =	smov.u32 s14;
	s13 =	smov.u32 s15;
	p0 =	sne.s32 s14, $0x380  }
.Ltmp5:
0x3d: {  	s14 =	sadd.s32 $0x80, s14;
	(pc) =	sbr.rel @p0 .LBB2_7-.Ltmp5, $2  }
0x3e: {  	_ =	sdelay $0x2  }
0x3f: {  	s15 =	sadd.s32 $0x400, s15;
	s16 =	sadd.s32 s16, s12  }
.Ltmp6:
0x40: {  	(pc) =	sbr.rel .LBB2_9-.Ltmp6, $2  }
0x41: {  	_ =	sdelay $0x2  }
0x42: {  	[hbm:s16] =	stream.linear.scatter [tilespmem:s13], [sflag:$0x3], $0x400, $0x38;
	[tilespmem:$0x4080] =	vst v63  }
.LBB2_2:
.Ltmp7:
0x43: {  	(pc) =	sbr.rel .LBB2_10-.Ltmp7, $4  }
0x44: {  	_ = 	snop  }
0x45: {  	s12 =	sshrl.u32 s11, $0x3  }
0x46: {  	s13 =	sand.u32 $0x7, s11;
	s12 =	sadd.s32 s3, s12  }
0x47: {  	[tilespmem:s9], [sflag:$0x2] =	stream.linear.gather [hbm4b:s12+s13], $0x40, $0x38;
	[tilespmem:$0x4080] =	vst v63  }
.LBB2_11:
0x48: {  	s2 =	simm.s32 $0x3  }
0x49: {  	_ =	swait.ge [sflag:s2], $0x2000  }
0x4a: {  	[sflag:s2] =	ssyncset.done $0x0  }
0x4b: {  	[sflag:s2] =	ssyncadd.s32 $0xFFFFE000  }
0x4c: {  	_ =	sfence.sel $0x180000  }
0x4d: {  	s3 =	simm.s32 $0x2;
	[bflag:$0x0] =	sbarrier.arrive $0xFFFF  }
0x4e: {  	[sflag:s3] =	ssyncpa.u1 $0x1  }
0x4f: {  	s31 =	simm.s32 $0x1;
	[sflag:s2] =	ssyncpa.u1 $0x1  }
0x50: {  	[sflag:s31] =	ssyncpa.u1 $0x1  }
0x51: {  	p0 =	sne.s32 s1, $0x0;
	_ =	strace $0x90000047  }
0x52: {  	s0 =	sadd.s32 @!p0 $0x100000, s0;
	[bflag:$0x2] =	sbarrier.arrive $0xFFFF  }
0x53: {  	[sflag:s0] =	ssyncadd.tile.s32 @!p0 $0x1;
	_ =	shalt  }
.Lfunc_end2:
_tile_overlayer_lowered:
.L_overlay_start_2:
0x54: {  	(tag) =	ssettag $0x2  }
0x55: {  	s0 =	rddreg [dreg:$0x0];
	s2 =	stileid.u32  }
0x56: {  	s1 =	rddreg [dreg:$0x1];
	p0 =	sne.s32 s2, $0x0  }
0x57: {  	s3 =	rddreg [dreg:$0x2];
	[bflag:$0x3] =	sbarrier.arrive $0xFFFF;
	s2 =	simm.s32 @!p0 $0x1C01  }
0x58: {  	[timem:s3], [sflag:s2] =	dma.local @!p0 [hbm:s0], s1  }
0x59: {  	s0 =	simm.s32 @!p0 $0x1  }
0x5a: {  	_ =	swait.ge @!p0 [sflag:s0], s1  }
0x5b: {  	s1 =	ssub.s32 @!p0 $0x0, s1;
	[sflag:s0] =	ssyncset.done @!p0 $0x0  }
0x5c: {  	[sflag:s0] =	ssyncadd.s32 @!p0 s1  }
0x5d: {  	[bflag:$0x3] =	sbarrier.arrive $0xFFFF  }
0x5e: {  	_ =	shalt  }

// kernel: kernel.5.cloned.1.call-start
scs
__scs_entry_jumppad:
0x0: {  	(pc) =	sbr.rel $0x88, $3  }
0x1: {  	(tag) =	ssettag $0x0;
	lr =	simm.s32 $0x1  }
0x2: {  	[smem:$0x3F9E] =	sst lr;
	_ =	strace $0xD0000000  }
0x3: {  	_ = 	snop  }
0x4: {  	_ = 	snop  }
0x5: {  	_ = 	snop  }
0x6: {  	_ = 	snop  }
0x7: {  	_ = 	snop  }
__scs_overlays_trampoline_lowered:
0x8: {  	[smem:$0x3FAD] =	sst s0  }
0x9: {  	[smem:$0x3FAE] =	sst s1  }
0xa: {  	[smem:$0x3FAF] =	sst s2  }
0xb: {  	[smem:$0x3FB0] =	sst s3  }
0xc: {  	[smem:$0x3FB1] =	sst s4  }
0xd: {  	[smem:$0x3FB2] =	sst s5  }
0xe: {  	[smem:$0x3FB3] =	sst s6  }
0xf: {  	[smem:$0x3FB4] =	sst s7  }
0x10: {  	[smem:$0x3FB5] =	sst s8  }
0x11: {  	[smem:$0x3FB6] =	sst s9;
	s0 =	simm.s32 @!p0 $0x0  }
0x12: {  	s1 =	sld [smem:$0x3F9C];
	s0 =	simm.s32 @p0 $0x1  }
0x13: {  	[smem:$0x3FB7] =	sst s0;
	s0 =	simm.s32 @!p1 $0x0  }
0x14: {  	s2 =	sld [smem:$0x3F9B];
	s0 =	simm.s32 @p1 $0x1  }
0x15: {  	[smem:$0x3FB8] =	sst s0;
	s0 =	simm.s32 @!p2 $0x0  }
0x16: {  	s3 =	sld [smem:$0x3FDB];
	s0 =	simm.s32 @p2 $0x1  }
0x17: {  	s4 =	simm.s32 $0x1BF5;
	[smem:$0x3FBA] =	sst s0  }
0x18: {  	s0 =	sld [smem:$0x3F9D];
	_ =	swait.ge [sflag:s4], $0x0  }
0x19: {  	s7 =	sld [smem:$0x3F9E]  }
0x1a: {  	s8 =	sadd.s32 $0xFFFFE003, lr  }
0x1b: {  	s9 =	sadd.s32 $0xFFFFFEF7, lr;
	s5 =	simm.s32 $0xFFFFFFFF;
	p2 =	slt.u32 s8, $0xFFFFF086  }
0x1c: {  	p1 =	slt.u32 s9, $0xF7A;
	s5 =	simm.s32 @!p2 $0x0  }
0x1d: {  	s5 =	simm.s32 @p1 $0x1;
	p0 =	seq.s32 s7, s2  }
0x1e: {  	s7 =	smul.u32 @!p0 $0xF7A, s2;
	p2 =	seq.s32 @!p0 s5, $0x0  }
0x1f: {  	s9 =	smul.u32 $0xF7A, s1;
	s8 =	simm.s32 @!p0 $0x1BF5;
	p2 =	por !p2, p0  }
0x20: {  	[sflag:s8] =	ssyncset.s32 @!p0 $0xFFFFF086;
	s6 =	sadd.s32 @!p0 s3, s7;
	s7 =	simm.s32 @!p0 $0x108  }
0x21: {  	s3 =	sadd.s32 s3, s9;
	s6 =	sadd.s32 @!p0 $0x88, s6;
	s7 =	simm.s32 @p2 $0x1082  }
0x22: {  	[simem:s7], [sflag:s8] =	dma.local @!p0 [hbm:s6], $0xF7A  }
0x23: {  	s9 =	sor.u32 $0xD0000000, s2;
	s6 =	simm.s32 $0x108;
	_ =	swait.ge @!p0 [sflag:s8], $0x0  }
0x24: {  	s3 =	sadd.s32 $0x88, s3;
	s6 =	simm.s32 @!p1 $0x1082;
	[sflag:s4] =	ssyncset.s32 $0xFFFFF086  }
0x25: {  	[simem:s6], [sflag:s4] =	dma.local [hbm:s3], $0xF7A  }
0x26: {  	[smem:$0x3F9E] =	sst s1;
	(tag) =	ssettag s2;
	_ =	strace s9  }
0x27: {  	s1 =	sld [smem:$0x3FAE]  }
0x28: {  	s2 =	sld [smem:$0x3FAF]  }
0x29: {  	s4 =	sld [smem:$0x3FB1]  }
0x2a: {  	p0 =	seq.s32 s5, $0x0;
	s5 =	sld [smem:$0x3FB2]  }
0x2b: {  	s6 =	sld [smem:$0x3FB3]  }
0x2c: {  	s7 =	sld [smem:$0x3FB4]  }
0x2d: {  	s3 =	simm.s32 $0x108;
	s8 =	sld [smem:$0x3FB5]  }
0x2e: {  	s3 =	simm.s32 @!p0 $0x1082;
	s9 =	sld [smem:$0x3FB6]  }
0x2f: {  	lr =	sadd.s32 s0, s3;
	s0 =	sld [smem:$0x3FAD]  }
0x30: {  	s3 =	sld [smem:$0x3FB0]  }
0x31: {  	[smem:$0x3FB9] =	sst s10  }
0x32: {  	s10 =	sld [smem:$0x3FB7];
	_ =	sdelay $0x3  }
0x33: {  	p0 =	seq.s32 s10, $0x1;
	s10 =	sld [smem:$0x3FB9];
	_ =	sdelay $0x3  }
0x34: {  	[smem:$0x3FB9] =	sst s10  }
0x35: {  	s10 =	sld [smem:$0x3FB8];
	_ =	sdelay $0x3  }
0x36: {  	p1 =	seq.s32 s10, $0x1;
	s10 =	sld [smem:$0x3FB9];
	_ =	sdelay $0x3  }
0x37: {  	[smem:$0x3FB9] =	sst s10  }
0x38: {  	s10 =	sld [smem:$0x3FBA]  }
0x39: {  	_ = 	snop;
	(pc) =	sbr.ind lr, $3  }
0x3a: {  	_ = 	snop  }
0x3b: {  	_ = 	snop  }
0x3c: {  	p2 =	seq.s32 s10, $0x1;
	s10 =	sld [smem:$0x3FB9]  }
0x3d: {  	_ =	shalt  }
0x3e: {  	_ =	shalt  }
0x3f: {  	_ =	shalt  }
0x40: {  	_ =	shalt  }
0x41: {  	_ =	shalt  }
0x42: {  	_ =	shalt  }
0x43: {  	_ =	shalt  }
0x44: {  	_ =	shalt  }
0x45: {  	_ =	shalt  }
0x46: {  	_ =	shalt  }
0x47: {  	_ =	shalt  }
0x48: {  	_ =	shalt  }
0x49: {  	_ =	shalt  }
0x4a: {  	_ =	shalt  }
0x4b: {  	_ =	shalt  }
0x4c: {  	_ =	shalt  }
0x4d: {  	_ =	shalt  }
0x4e: {  	_ =	shalt  }
0x4f: {  	_ =	shalt  }
0x50: {  	_ =	shalt  }
0x51: {  	_ =	shalt  }
0x52: {  	_ =	shalt  }
0x53: {  	_ =	shalt  }
0x54: {  	_ =	shalt  }
0x55: {  	_ =	shalt  }
0x56: {  	_ =	shalt  }
0x57: {  	_ =	shalt  }
0x58: {  	_ =	shalt  }
0x59: {  	_ =	shalt  }
0x5a: {  	_ =	shalt  }
0x5b: {  	_ =	shalt  }
0x5c: {  	_ =	shalt  }
0x5d: {  	_ =	shalt  }
0x5e: {  	_ =	shalt  }
0x5f: {  	_ =	shalt  }
0x60: {  	_ =	shalt  }
0x61: {  	_ =	shalt  }
0x62: {  	_ =	shalt  }
0x63: {  	_ =	shalt  }
0x64: {  	_ =	shalt  }
0x65: {  	_ =	shalt  }
0x66: {  	_ =	shalt  }
0x67: {  	_ =	shalt  }
0x68: {  	_ =	shalt  }
0x69: {  	_ =	shalt  }
0x6a: {  	_ =	shalt  }
0x6b: {  	_ =	shalt  }
0x6c: {  	_ =	shalt  }
0x6d: {  	_ =	shalt  }
0x6e: {  	_ =	shalt  }
0x6f: {  	_ =	shalt  }
0x70: {  	_ =	shalt  }
0x71: {  	_ =	shalt  }
0x72: {  	_ =	shalt  }
0x73: {  	_ =	shalt  }
0x74: {  	_ =	shalt  }
0x75: {  	_ =	shalt  }
0x76: {  	_ =	shalt  }
0x77: {  	_ =	shalt  }
0x78: {  	_ =	shalt  }
0x79: {  	_ =	shalt  }
0x7a: {  	_ =	shalt  }
0x7b: {  	_ =	shalt  }
0x7c: {  	_ =	shalt  }
0x7d: {  	_ =	shalt  }
0x7e: {  	_ =	shalt  }
0x7f: {  	_ =	shalt  }
0x80: {  	_ =	shalt  }
0x81: {  	_ =	shalt  }
0x82: {  	_ =	shalt  }
0x83: {  	_ =	shalt  }
0x84: {  	_ =	shalt  }
0x85: {  	_ =	shalt  }
0x86: {  	_ =	shalt  }
0x87: {  	_ =	shalt  }
.Lfunc_end0:
.L_simem_size_0:
called_computation.1_lowered:
.L_overlay_start_0:
0x88: {  	s2 =	sld [smem:$0x3FD9]  }
0x89: {  	s3 =	sld [smem:$0x3FFE];
	_ =	sdelay $0x1  }
0x8a: {  	s1 =	srdreg.scid  }
0x8b: {  	s0 =	sand.u32 $0x1, s1  }
0x8c: {  	s17 =	sshll.u32 s0, $0xA;
	s2 =	sadd.s32 s3, s2  }
0x8d: {  	s2 =	sadd.s32 s2, s17  }
0x8e: {  	[smem:$0x3FC5] =	sst s2  }
0x8f: {  	_ = 	snop  }
0x90: {  	s4 =	sld [smem:$0x3FC7]  }
0x91: {  	s18 =	sld [smem:$0x3FD0];
	(tm) =	ssettm $0x1  }
0x92: {  	s19 =	sld [smem:$0x3FFB];
	_ =	sdelay $0x3  }
0x93: {  	_ =	strace s19  }
0x94: {  	s2 =	sld [smem:$0x3FFC];
	_ =	sdelay $0x3  }
0x95: {  	_ =	strace s2  }
0x96: {  	s2 =	sld [smem:$0x3FFD];
	_ =	sdelay $0x3  }
0x97: {  	_ =	strace s2  }
0x98: {  	_ =	strace $0x8FFFFFFF  }
0x99: {  	s20 =	sld [smem:$0x3FDB];
	_ =	sdelay $0x1  }
0x9a: {  	s5 =	simm.s32 $_scs_section_size  }
0x9b: {  	s6 =	simm.s32 $_size__tile_overlayer_lowered;
	s7 =	simm.s32 $_tile_overlayer_lowered  }
0x9c: {  	s8 =	simm.s32 $0x1BFF;
	s21 =	sshll.u32 s7, $0x1;
	s5 =	sadd.s32 s5, s20  }
0x9d: {  	s22 =	simm.s32 $0x0;
	s6 =	sshll.u32 s6, $0x1;
	s7 =	sadd.s32 s21, s5  }
0x9e: {  	[timem:s22], [sflag:s8] =	dma.local [hbm:s7], s6  }
0x9f: {  	_ =	swait.ge [sflag:s8], s6  }
0xa0: {  	s6 =	ssub.s32 $0x0, s6;
	[sflag:s8] =	ssyncset.done $0x0  }
0xa1: {  	[sflag:s8] =	ssyncadd.s32 s6;
	_ =	sdelay $0x1  }
0xa2: {  	s23 =	simm.s32 $0x1B8B  }
0xa3: {  	_ =	swait.ge [sflag:s23], $0x1  }
0xa4: {  	[sflag:s23] =	ssyncset.done $0x0  }
0xa5: {  	[sflag:s23] =	ssyncadd.s32 $0xFFFFFFFF  }
0xa6: {  	s6 =	sld [smem:$0x0]  }
0xa7: {  	s7 =	sand.u32 $0xFFFFFFFE, s1  }
0xa8: {  	p0 =	sne.s32 s1, s7  }
0xa9: {  	s7 =	sshll.u32 @p0 s7, $0xE  }
0xaa: {  	s7 =	sadd.s32 @p0 $0x11B8D, s7;
	s8 =	sshll.u32 @p0 s6, $0x11  }
0xab: {  	s7 =	sor.u32 @p0 s8, s7  }
0xac: {  	[sflag:s7] =	ssyncadd.remote.s32 @p0 $0x1;
	_ =	sdelay $0x1  }
0xad: {  	s7 =	simm.s32 @p0 $0x1B8D  }
0xae: {  	_ =	swait.eq @p0 [sflag:s7], $0x1  }
0xaf: {  	[sflag:s7] =	ssyncadd.s32 @p0 $0xFFFFFFFF  }
0xb0: {  	s8 =	sshll.u32 @!p0 s1, $0xE  }
0xb1: {  	s8 =	sor.u32 @!p0 $0x4000, s8;
	s7 =	simm.s32 @!p0 $0x1B8D  }
0xb2: {  	s6 =	sshll.u32 @!p0 s6, $0x11;
	s8 =	sadd.s32 @!p0 $0x11B8D, s8;
	_ =	swait.eq @!p0 [sflag:s7], $0x1  }
0xb3: {  	s6 =	sor.u32 @!p0 s6, s8;
	[sflag:s7] =	ssyncadd.s32 @!p0 $0xFFFFFFFF  }
0xb4: {  	s25 =	simm.s32 $0x1B8E;
	s24 =	sld [smem:$0x3FFE];
	[sflag:s6] =	ssyncadd.remote.s32 @!p0 $0x1  }
0xb5: {  	s26 =	simm.s32 $execute0_lowered;
	[smem:$0x3FD2] =	sst s25  }
0xb6: {  	s7 =	sshll.u32 s26, $0x1;
	_ =	strace $0x80000049;
	[dreg:$0x1] =	wrdreg $0xFFFFFFFF  }
0xb7: {  	s28 =	simm.s32 $_size_execute0_lowered;
	s5 =	sadd.s32 s5, s7;
	[dreg:$0x0] =	wrdreg $0x0  }
0xb8: {  	s7 =	sshll.u32 s28, $0x1;
	[dreg:$0x2] =	wrdreg s5  }
0xb9: {  	[dreg:$0x3] =	wrdreg s7  }
0xba: {  	[dreg:$0x4] =	wrdreg $0xC0  }
0xbb: {  	_ =	task [dreg:s22], $0x5FFFF  }
0xbc: {  	[dreg:$0x1] =	wrdreg $0xFFFFFFFF  }
0xbd: {  	[dreg:$0x0] =	wrdreg $0x60  }
0xbe: {  	[dreg:$0x2] =	wrdreg s4  }
0xbf: {  	[dreg:$0x3] =	wrdreg s24  }
0xc0: {  	[dreg:$0x4] =	wrdreg s18  }
0xc1: {  	[dreg:$0x5] =	wrdreg $0xA  }
0xc2: {  	_ =	task.clear_ibuf [dreg:s22], $0x6FFFF;
	_ =	strace $0x90000049  }
0xc3: {  	s29 =	simm.s32 $0xA;
	_ =	strace $0x8000004B  }
0xc4: {  	_ =	swait.ge [sflag:s29], $0x1  }
0xc5: {  	[sflag:s29] =	ssyncadd.s32 $0xFFFFFFFF  }
0xc6: {  	_ =	strace $0x9000004B  }
0xc7: {  	_ =	sfence  }
0xc8: {  	s30 =	sld [smem:$0x0];
	_ =	sdelay $0x2  }
0xc9: {  	s31 =	sshll.u32 s1, $0xD;
	s1 =	sshrl.u32 s1, $0x2  }
0xca: {  	s4 =	sand.u32 $0x4000, s31;
	s1 =	sadd.s32 s1, s30  }
0xcb: {  	s0 =	sor.u32 s4, s0;
	s1 =	sshll.u32 s1, $0x11  }
0xcc: {  	s0 =	sor.u32 s1, s0  }
0xcd: {  	s0 =	sadd.s32 $0x8F2B, s0  }
0xce: {  	[sflag:s0] =	ssyncadd.remote.s32 $0x1  }
0xcf: {  	_ =	sfence.sel $0xFFFF  }
0xd0: {  	[dreg:$0x0] =	wrdreg $0xFFFFFFFF;
	(pc) =	sbr.abs _section_cstart, $3  }
0xd1: {  	[dreg:$0x1] =	wrdreg $0xFFFFFFFF  }
0xd2: {  	_ =	task.clear_ibuf [dreg:s22], $0x2FFFF;
	_ =	strace $0x9FFFFFFF  }
0xd3: {  	(tm) =	ssettm $0x7FFFFFFF  }
tec
execute0_lowered:
.L_overlay_start_1:
0x0: {  	(tag) =	ssettag $0x1  }
0x1: {  	s1 =	rddreg [dreg:$0x0]  }
0x2: {  	s2 =	srdreg.scid;
	s6 =	rddreg [dreg:$0x1]  }
0x3: {  	s0 =	stileid.u32;
	s3 =	rddreg [dreg:$0x2];
	s5 =	simm.s32 $0x0  }
0x4: {  	s14 =	simm.s32 $0x1810;
	s15 =	simm.s32 $0x1;
	s7 =	sand.u32 $0x1, s2  }
0x5: {  	s16 =	simm.s32 $0x80;
	s22 =	sshll.u32 s0, $0x7;
	s4 =	sshll.u32 s7, $0x6  }
0x6: {  	s17 =	simm.s32 $0x400;
	s18 =	simm.s32 $0x2;
	s4 =	sor.u32 s4, s22  }
0x7: {  	s19 =	simm.s32 $0x0;
	s8 =	sadd.s32 $0xFFFFFFFF, s4;
	s9 =	smul.u32 $0x7FF, s4  }
0x8: {  	s2 =	rddreg [dreg:$0x3];
	s10 =	sor.u32 $0x1, s4;
	s8 =	smul.u32 s4, s8  }
0x9: {  	[smem:$0x7FF] =	sst s5;
	s12 =	sor.u32 $0x2, s4;
	s11 =	smul.u32 s4, s10  }
0xa: {  	s6 =	sadd.s32 $0x10200, s6;
	_ =	strace $0x8000004A;
	s13 =	smul.u32 s10, s12  }
0xb: {  	s7 =	ssub.s32 $0x2, s7;
	s24 =	smul.u32 $0x7FF, s10;
	s8 =	sshra.s32 s8, $0x1  }
0xc: {  	s28 =	sshrl.u32 s7, $0x1;
	s26 =	smul.u32 $0x7FF, s12;
	s8 =	sadd.s32 s4, s8  }
0xd: {  	s23 =	sshrl.u32 s11, $0x1;
	s25 =	sshrl.u32 s13, $0x1;
	s8 =	sxor.u32 $0xFFFFFFFF, s8  }
0xe: {  	s11 =	ssub.s32 s7, s28;
	s8 =	sadd.s32 s8, s9;
	s9 =	sadd.s32 s10, s23  }
0xf: {  	s13 =	simm.s32 $0x1008;
	s10 =	sadd.s32 s12, s25;
	s9 =	sxor.u32 $0xFFFFFFFF, s9  }
0x10: {  	s8 =	sand.u32 $0xFFFFFFF8, s8;
	s10 =	sxor.u32 $0xFFFFFFFF, s10;
	s9 =	sadd.s32 s9, s24  }
0x11: {  	p0 =	sgt.s32 s8, $0x0;
	s10 =	sadd.s32 s10, s26;
	s9 =	sand.u32 $0xFFFFFFF8, s9  }
0x12: {  	s8 =	simm.s32 @!p0 $0x0;
	s10 =	sand.u32 $0xFFFFFFF8, s10;
	p0 =	sgt.s32 s9, $0x0  }
0x13: {  	s29 =	smin.u32 s8, $0x1FF3F8;
	s9 =	simm.s32 @!p0 $0x0;
	p0 =	sgt.s32 s10, $0x0  }
0x14: {  	s12 =	simm.s32 $0x800;
	s7 =	sshrl.u32 s29, $0x3;
	s10 =	simm.s32 @!p0 $0x0  }
0x15: {  	s30 =	smin.u32 s9, $0x1FF3F8;
	s7 =	sadd.s32 s1, s7;
	s31 =	smin.u32 s10, $0x1FF3F8  }
0x16: {  	s8 =	sshrl.u32 s30, $0x3;
	s10 =	smax.u32 s11, $0x1;
	s9 =	sshrl.u32 s31, $0x3  }
0x17: {  	s11 =	simm.s32 $0x3;
	s8 =	sadd.s32 s1, s8;
	s9 =	sadd.s32 s1, s9  }
.LBB2_1:
0x18: {  	[tilespmem:s5], [sflag:$0x3] =	stream.linear.gather [hbm4b:s6+s5], $0x800, $0x38;
	[tilespmem:$0x4880] =	vst v63  }
0x19: {  	_ =	swait.ge [sflag:s11], $0x800  }
0x1a: {  	[sflag:s11] =	ssyncset.done $0x0  }
0x1b: {  	[sflag:s11] =	ssyncadd.s32 $0xFFFFF800  }
0x1c: {  	[tilespmem:s12], [sflag:$0x1] =	stream.linear.gather [hbm4b:s7+s5], $0x808, $0x38;
	[tilespmem:$0x4880] =	vst v63  }
0x1d: {  	_ = 	snop  }
0x1e: {  	[tilespmem:s13], [sflag:$0x1] =	stream.linear.gather [hbm4b:s8+s5], $0x808, $0x38;
	[tilespmem:$0x4880] =	vst v63  }
0x1f: {  	s20 =	simm.s32 $0x0;
	s21 =	simm.s32 $0x0  }
0x20: {  	[tilespmem:s14], [sflag:$0x1] =	stream.linear.gather [hbm4b:s9+s5], $0x808, $0x38;
	[tilespmem:$0x4880] =	vst v63  }
.LBB2_2:
0x21: {  	s22 =	sor.u32 s4, s21  }
0x22: {  	s23 =	sadd.s32 $0x3, s22;
	s24 =	sadd.s32 $0x2, s22  }
0x23: {  	s24 =	smul.u32 s24, s23;
	_ =	sdelay $0x1  }
0x24: {  	s24 =	sshrl.u32 s24, $0x1  }
0x25: {  	s25 =	smul.u32 $0x7FF, s23;
	s23 =	sadd.s32 s23, s24  }
0x26: {  	s23 =	sxor.u32 $0xFFFFFFFF, s23  }
0x27: {  	s23 =	sadd.s32 s23, s25  }
0x28: {  	s29 =	sadd.s32 $0xFFFFFFFF, s21;
	s23 =	sand.u32 $0xFFFFFFF8, s23  }
0x29: {  	s24 =	sand.u32 $0x3, s29;
	p0 =	sgt.s32 s23, $0x0  }
0x2a: {  	s24 =	smul.u32 $0x2020, s24;
	s23 =	simm.s32 @!p0 $0x0  }
0x2b: {  	s23 =	smin.u32 s23, $0x1FF3F8  }
0x2c: {  	s24 =	sshrl.u32 s24, $0x2;
	s23 =	sshrl.u32 s23, $0x3  }
0x2d: {  	s30 =	sadd.s32 $0xFFFFFFFF, s22;
	s24 =	sadd.s32 $0x800, s24;
	s23 =	sadd.s32 s1, s23  }
0x2e: {  	[tilespmem:s24], [sflag:$0x1] =	stream.linear.gather [hbm4b:s23+s5], $0x808, $0x38;
	[tilespmem:$0x4880] =	vst v63  }
0x2f: {  	s23 =	smul.u32 s22, s30  }
0x30: {  	s31 =	smul.u32 $0x7FF, s22;
	_ =	swait.ge [sflag:s15], $0x808  }
0x31: {  	p0 =	slt.u32 s21, $0x4;
	[sflag:s15] =	ssyncset.done $0x0;
	s23 =	sshra.s32 s23, $0x1  }
0x32: {  	s24 =	simm.s32 @!p0 $0x2;
	[sflag:s15] =	ssyncadd.s32 $0xFFFFF7F8;
	s23 =	sadd.s32 s22, s23  }
0x33: {  	_ =	swait.ge @!p0 [sflag:s24], $0x800;
	s23 =	sxor.u32 $0xFFFFFFFF, s23  }
0x34: {  	[sflag:s24] =	ssyncset.done @!p0 $0x0;
	s23 =	sadd.s32 s23, s31  }
0x35: {  	s26 =	simm.s32 $0x40;
	[sflag:s24] =	ssyncadd.s32 @!p0 $0xFFFFF800;
	s24 =	sand.u32 $0xFFFFFFF8, s23  }
0x36: {  	p0 =	sgt.s32 s24, $0x0;
	v4 =	vld [tilespmem:s26+$0xFFFFFFF0]  }
0x37: {  	v1 =	vld [tilespmem:s26+$0x30];
	s24 =	simm.s32 @!p0 $0x0  }
0x38: {  	v2 =	vld [tilespmem:s26+$0xFFFFFFD0];
	s24 =	smin.u32 s24, $0x1FF3F8  }
0x39: {  	v3 =	vld [tilespmem:s26+$0xFFFFFFE0];
	s23 =	ssub.s32 s23, s24  }
0x3a: {  	v5 =	vld [tilespmem:s26+$0x0];
	v0 =	vmov s23  }
0x3b: {  	v6 =	vld [tilespmem:s26+$0x10];
	v4 =	vadd.s32 v0, v4  }
0x3c: {  	v7 =	vld [tilespmem:s26+$0x20];
	vm4 =	vgt.s32 v4, $0x0  }
0x3d: {  	s29 =	simm.s32 $0xC0;
	s25 =	sand.u32 $0x3, s21;
	v8 =	vld [tilespmem:s26+$0xFFFFFFC0];
	v4 =	vnsel vm4, $0x0, v4  }
0x3e: {  	v10 =	vld [tilespmem:s29+$0xFFFFFFD0];
	s24 =	smul.u32 $0x2020, s25  }
0x3f: {  	v11 =	vld [tilespmem:s29+$0xFFFFFFE0]  }
0x40: {  	v12 =	vld [tilespmem:s29+$0xFFFFFFF0];
	v1 =	vadd.s32 v0, v1;
	s23 =	sshrl.u32 s24, $0x2  }
0x41: {  	v13 =	vld [tilespmem:s29+$0x0];
	v2 =	vadd.s32 v0, v2;
	vm0 =	vgt.s32 v1, $0x0;
	s23 =	sadd.s32 $0x800, s23  }
0x42: {  	v3 =	vadd.s32 v0, v3;
	vm1 =	vgt.s32 v2, $0x0;
	v1 =	vnsel vm0, $0x0, v1;
	v9 =	vld.idx.msk [tilespmem:v4+s23+$0x0], $0xffff  }
0x43: {  	v8 =	vadd.s32 v0, v8;
	vm15 =	vgt.s32 v3, $0x0;
	v2 =	vnsel vm1, $0x0, v2;
	v4 =	vld [tilespmem:s29+$0x30]  }
0x44: {  	v14 =	vld [tilespmem:s29+$0x10];
	v5 =	vadd.s32 v0, v5;
	vm5 =	vgt.s32 v8, $0x0;
	v3 =	vnsel vm15, $0x0, v3  }
0x45: {  	v15 =	vld [tilespmem:s29+$0x20];
	v7 =	vadd.s32 v0, v7;
	vm6 =	vgt.s32 v5, $0x0;
	v8 =	vnsel vm5, $0x0, v8  }
0x46: {  	v16 =	vld [tilespmem:s29+$0xFFFFFFC0];
	v10 =	vadd.s32 v0, v10;
	vm8 =	vgt.s32 v7, $0x0;
	v5 =	vnsel vm6, $0x0, v5  }
0x47: {  	v6 =	vadd.s32 v0, v6;
	vm10 =	vgt.s32 v10, $0x0;
	v7 =	vnsel vm8, $0x0, v7;
	v1 =	vld.idx.msk [tilespmem:v1+s23+$0x0], $0xffff  }
0x48: {  	vm7 =	vgt.s32 v6, $0x0;
	v10 =	vnsel vm10, $0x0, v10;
	v2 =	vld.idx.msk [tilespmem:v2+s23+$0x0], $0xffff;
	v4 =	vadd.s32 v0, v4  }
0x49: {  	v6 =	vnsel vm7, $0x0, v6;
	v3 =	vld.idx.msk [tilespmem:v3+s23+$0x0], $0xffff;
	vm9 =	vgt.s32 v4, $0x0  }
0x4a: {  	s30 =	sand.u32 $0x3, s20;
	v63 =	vld.idx.msk [tilespmem:v8+s23+$0x0], $0xffff;
	v17 =	vnsel vm9, $0x0, v4;
	v4 =	vadd.s32 v0, v11  }
0x4b: {  	s31 =	sshll.u32 s30, $0xB;
	v19 =	vld.idx.msk [tilespmem:v5+s23+$0x0], $0xffff;
	v11 =	vadd.s32 v0, v12;
	vm11 =	vgt.s32 v4, $0x0  }
0x4c: {  	s24 =	sadd.s32 $0x28C0, s31;
	v5 =	vld.idx.msk [tilespmem:v7+s23+$0x0], $0xffff;
	vm12 =	vgt.s32 v11, $0x0;
	v18 =	vnsel vm11, $0x0, v4  }
0x4d: {  	v8 =	vld.idx.msk [tilespmem:v10+s23+$0x0], $0xffff;
	[tilespmem:s24+$0x30] =	vst v1;
	v11 =	vnsel vm12, $0x0, v11  }
0x4e: {  	[tilespmem:s24+$0xFFFFFFD0] =	vst v2;
	v4 =	vld.idx.msk [tilespmem:v6+s23+$0x0], $0xffff  }
0x4f: {  	v1 =	vadd.s32 v0, v13;
	[tilespmem:s24+$0xFFFFFFE0] =	vst v3;
	v2 =	vadd.s32 v0, v14;
	v3 =	vadd.s32 v0, v15  }
0x50: {  	[tilespmem:s24+$0xFFFFFFF0] =	vst v9;
	vm13 =	vgt.s32 v1, $0x0;
	vm14 =	vgt.s32 v2, $0x0;
	v6 =	vadd.s32 v0, v16;
	v7 =	vld.idx.msk [tilespmem:v17+s23+$0x0], $0xffff  }
0x51: {  	s25 =	sshll.u32 s25, $0xB;
	[tilespmem:s24+$0xFFFFFFC0] =	vst v63;
	vm15 =	vgt.s32 v3, $0x0;
	v1 =	vnsel vm13, $0x0, v1;
	vm2 =	vgt.s32 v6, $0x0;
	v9 =	vld.idx.msk [tilespmem:v18+s23+$0x0], $0xffff  }
0x52: {  	s28 =	simm.s32 $0x140;
	s26 =	simm.s32 $0x80;
	s25 =	sadd.s32 $0x2880, s25;
	[tilespmem:s24+$0x0] =	vst v19;
	v2 =	vnsel vm14, $0x0, v2;
	v3 =	vnsel vm15, $0x0, v3;
	v6 =	vnsel vm2, $0x0, v6;
	v10 =	vld.idx.msk [tilespmem:v11+s23+$0x0], $0xffff  }
.LBB2_3:
0x53: {  	v11 =	vld [tilespmem:s28+$0x30];
	s26 =	sadd.s32 $0x80, s26;
	[tilespmem:s24+$0x10] =	vst v4  }
0x54: {  	v4 =	vld [tilespmem:s28+$0xFFFFFFD0];
	p0 =	slt.u32 s26, $0x780;
	[tilespmem:s24+$0x20] =	vst v5;
	s24 =	sadd.s32 $0x80, s24  }
0x55: {  	v5 =	vld [tilespmem:s28+$0xFFFFFFE0];
	[tilespmem:s24+$0x30] =	vst v7  }
0x56: {  	v7 =	vld [tilespmem:s28+$0xFFFFFFF0];
	[tilespmem:s24+$0xFFFFFFD0] =	vst v8  }
0x57: {  	v8 =	vld [tilespmem:s28+$0x0];
	[tilespmem:s24+$0xFFFFFFE0] =	vst v9  }
0x58: {  	v9 =	vld [tilespmem:s28+$0x10];
	v11 =	vadd.s32 v0, v11;
	[tilespmem:s24+$0xFFFFFFF0] =	vst v10  }
0x59: {  	v4 =	vadd.s32 v0, v4;
	v10 =	vld [tilespmem:s28+$0x20];
	vm0 =	vgt.s32 v11, $0x0  }
0x5a: {  	v12 =	vld [tilespmem:s28+$0xFFFFFFC0];
	vm1 =	vgt.s32 v4, $0x0;
	v5 =	vadd.s32 v0, v5;
	v11 =	vnsel vm0, $0x0, v11  }
0x5b: {  	v13 =	vnsel vm1, $0x0, v4;
	vm0 =	vgt.s32 v5, $0x0;
	v4 =	vadd.s32 v0, v7;
	v14 =	vld.idx.msk [tilespmem:v6+s23+$0x0], $0xffff  }
0x5c: {  	v15 =	vnsel vm0, $0x0, v5;
	vm0 =	vgt.s32 v4, $0x0;
	v5 =	vadd.s32 v0, v8;
	v16 =	vld.idx.msk [tilespmem:v1+s23+$0x0], $0xffff  }
0x5d: {  	v17 =	vnsel vm0, $0x0, v4;
	vm0 =	vgt.s32 v5, $0x0;
	v6 =	vadd.s32 v0, v9;
	v4 =	vld.idx.msk [tilespmem:v2+s23+$0x0], $0xffff  }
.Ltmp0:
0x5e: {  	v1 =	vnsel vm0, $0x0, v5;
	vm0 =	vgt.s32 v6, $0x0;
	v9 =	vadd.s32 v0, v10;
	v5 =	vld.idx.msk [tilespmem:v3+s23+$0x0], $0xffff;
	(pc) =	sbr.rel @p0 .LBB2_3-.Ltmp0, $4  }
0x5f: {  	v10 =	vadd.s32 v0, v12;
	v2 =	vnsel vm0, $0x0, v6;
	vm0 =	vgt.s32 v9, $0x0;
	v7 =	vld.idx.msk [tilespmem:v11+s23+$0x0], $0xffff  }
0x60: {  	vm1 =	vgt.s32 v10, $0x0;
	v8 =	vld.idx.msk [tilespmem:v13+s23+$0x0], $0xffff;
	v3 =	vnsel vm0, $0x0, v9  }
0x61: {  	v6 =	vnsel vm1, $0x0, v10;
	v9 =	vld.idx.msk [tilespmem:v15+s23+$0x0], $0xffff;
	[tilespmem:s24+$0xFFFFFFC0] =	vst v14  }
0x62: {  	s28 =	sadd.s32 $0x80, s28;
	v10 =	vld.idx.msk [tilespmem:v17+s23+$0x0], $0xffff;
	[tilespmem:s24+$0x0] =	vst v16  }
0x63: {  	_ =	sdelay $0x2  }
0x64: {  	[tilespmem:s24+$0x10] =	vst v4  }
0x65: {  	[tilespmem:s24+$0x20] =	vst v5;
	s30 =	sadd.s32 $0x80, s24;
	v0 =	vld.idx.msk [tilespmem:v6+s23+$0x0], $0xffff  }
0x66: {  	v1 =	vld.idx.msk [tilespmem:v1+s23+$0x0], $0xffff;
	[tilespmem:s30+$0x30] =	vst v7  }
0x67: {  	v2 =	vld.idx.msk [tilespmem:v2+s23+$0x0], $0xffff;
	[tilespmem:s30+$0xFFFFFFD0] =	vst v8  }
0x68: {  	v3 =	vld.idx.msk [tilespmem:v3+s23+$0x0], $0xffff;
	s31 =	sshll.u32 s21, $0x4;
	s21 =	sadd.s32 $0x1, s21;
	[tilespmem:s30+$0xFFFFFFE0] =	vst v9  }
0x69: {  	p0 =	sne.s32 s21, $0x40;
	[tilespmem:s30+$0xFFFFFFF0] =	vst v10  }
.Ltmp1:
0x6a: {  	[tilespmem:s30+$0xFFFFFFC0] =	vst v0;
	(pc) =	sbr.rel @p0 .LBB2_2-.Ltmp1, $4  }
0x6b: {  	s22 =	sshll.u32 s22, $0x8;
	s23 =	sand.u32 $0x70, s31;
	[tilespmem:s30+$0x0] =	vst v1  }
0x6c: {  	s22 =	sand.u32 $0x7F800, s22;
	s23 =	sadd.s32 s3, s23;
	[tilespmem:s30+$0x10] =	vst v2  }
0x6d: {  	s20 =	sadd.s32 $0x1, s20;
	s22 =	sadd.s32 s22, s23;
	[tilespmem:s30+$0x20] =	vst v3  }
0x6e: {  	[hbm4b:s22+s16] =	stream.strided.scatter [tilespmem:s25], [sflag:$0x2], $0x800, s17, s16, $0x38;
	[tilespmem:$0x4880] =	vst v63  }
0x6f: {  	_ =	swait.ge [sflag:s15], $0x808  }
0x70: {  	[sflag:s15] =	ssyncset.done $0x0  }
0x71: {  	[sflag:s15] =	ssyncadd.s32 $0xFFFFF7F8  }
0x72: {  	_ =	swait.ge [sflag:s15], $0x808  }
0x73: {  	[sflag:s15] =	ssyncset.done $0x0  }
0x74: {  	[sflag:s15] =	ssyncadd.s32 $0xFFFFF7F8  }
0x75: {  	_ =	swait.ge [sflag:s15], $0x808  }
0x76: {  	[sflag:s15] =	ssyncset.done $0x0  }
0x77: {  	[sflag:s15] =	ssyncadd.s32 $0xFFFFF7F8  }
0x78: {  	_ =	swait.ge [sflag:s18], $0x800  }
0x79: {  	[sflag:s18] =	ssyncset.done $0x0  }
0x7a: {  	[sflag:s18] =	ssyncadd.s32 $0xFFFFF800  }
0x7b: {  	_ =	swait.ge [sflag:s18], $0x800  }
0x7c: {  	[sflag:s18] =	ssyncset.done $0x0  }
0x7d: {  	s19 =	sadd.s32 $0x1, s19;
	[sflag:s18] =	ssyncadd.s32 $0xFFFFF800  }
0x7e: {  	p0 =	sne.s32 s19, s10;
	_ =	swait.ge [sflag:s18], $0x800  }
.Ltmp2:
0x7f: {  	[sflag:s18] =	ssyncset.done $0x0;
	(pc) =	sbr.rel @p0 .LBB2_1-.Ltmp2, $4  }
0x80: {  	[sflag:s18] =	ssyncadd.s32 $0xFFFFF800  }
0x81: {  	_ =	swait.ge [sflag:s18], $0x800  }
0x82: {  	[sflag:s18] =	ssyncset.done $0x0  }
0x83: {  	[sflag:s18] =	ssyncadd.s32 $0xFFFFF800  }
0x84: {  	_ =	sfence.sel $0x180000  }
0x85: {  	[bflag:$0x0] =	sbarrier.arrive $0xFFFF  }
0x86: {  	p0 =	sne.s32 s0, $0x0;
	_ =	strace $0x9000004A  }
0x87: {  	s0 =	sadd.s32 @!p0 $0x100000, s2;
	[bflag:$0x2] =	sbarrier.arrive $0xFFFF  }
0x88: {  	[sflag:s0] =	ssyncadd.tile.s32 @!p0 $0x1;
	_ =	shalt  }
.Lfunc_end2:
_tile_overlayer_lowered:
.L_overlay_start_2:
0x89: {  	(tag) =	ssettag $0x2  }
0x8a: {  	s0 =	rddreg [dreg:$0x0];
	s2 =	stileid.u32  }
0x8b: {  	s1 =	rddreg [dreg:$0x1];
	p0 =	sne.s32 s2, $0x0  }
0x8c: {  	s3 =	rddreg [dreg:$0x2];
	[bflag:$0x3] =	sbarrier.arrive $0xFFFF;
	s2 =	simm.s32 @!p0 $0x1C03  }
0x8d: {  	[timem:s3], [sflag:s2] =	dma.local @!p0 [hbm:s0], s1  }
0x8e: {  	s0 =	simm.s32 @!p0 $0x3  }
0x8f: {  	_ =	swait.ge @!p0 [sflag:s0], s1  }
0x90: {  	s1 =	ssub.s32 @!p0 $0x0, s1;
	[sflag:s0] =	ssyncset.done @!p0 $0x0  }
0x91: {  	[sflag:s0] =	ssyncadd.s32 @!p0 s1  }
0x92: {  	[bflag:$0x3] =	sbarrier.arrive $0xFFFF  }
0x93: {  	_ =	shalt  }

// kernel: kernel.8.cloned.1.call-start
scs
__scs_entry_jumppad:
0x0: {  	(pc) =	sbr.rel $0x88, $3  }
0x1: {  	(tag) =	ssettag $0x0;
	lr =	simm.s32 $0x1  }
0x2: {  	[smem:$0x3F9E] =	sst lr;
	_ =	strace $0xD0000000  }
0x3: {  	_ = 	snop  }
0x4: {  	_ = 	snop  }
0x5: {  	_ = 	snop  }
0x6: {  	_ = 	snop  }
0x7: {  	_ = 	snop  }
__scs_overlays_trampoline_lowered:
0x8: {  	[smem:$0x3FAD] =	sst s0  }
0x9: {  	[smem:$0x3FAE] =	sst s1  }
0xa: {  	[smem:$0x3FAF] =	sst s2  }
0xb: {  	[smem:$0x3FB0] =	sst s3  }
0xc: {  	[smem:$0x3FB1] =	sst s4  }
0xd: {  	[smem:$0x3FB2] =	sst s5  }
0xe: {  	[smem:$0x3FB3] =	sst s6  }
0xf: {  	[smem:$0x3FB4] =	sst s7  }
0x10: {  	[smem:$0x3FB5] =	sst s8  }
0x11: {  	[smem:$0x3FB6] =	sst s9;
	s0 =	simm.s32 @!p0 $0x0  }
0x12: {  	s1 =	sld [smem:$0x3F9C];
	s0 =	simm.s32 @p0 $0x1  }
0x13: {  	[smem:$0x3FB7] =	sst s0;
	s0 =	simm.s32 @!p1 $0x0  }
0x14: {  	s2 =	sld [smem:$0x3F9B];
	s0 =	simm.s32 @p1 $0x1  }
0x15: {  	[smem:$0x3FB8] =	sst s0;
	s0 =	simm.s32 @!p2 $0x0  }
0x16: {  	s3 =	sld [smem:$0x3FDB];
	s0 =	simm.s32 @p2 $0x1  }
0x17: {  	s4 =	simm.s32 $0x1BF5;
	[smem:$0x3FBA] =	sst s0  }
0x18: {  	s0 =	sld [smem:$0x3F9D];
	_ =	swait.ge [sflag:s4], $0x0  }
0x19: {  	s7 =	sld [smem:$0x3F9E]  }
0x1a: {  	s8 =	sadd.s32 $0xFFFFE003, lr  }
0x1b: {  	s9 =	sadd.s32 $0xFFFFFEF7, lr;
	s5 =	simm.s32 $0xFFFFFFFF;
	p2 =	slt.u32 s8, $0xFFFFF086  }
0x1c: {  	p1 =	slt.u32 s9, $0xF7A;
	s5 =	simm.s32 @!p2 $0x0  }
0x1d: {  	s5 =	simm.s32 @p1 $0x1;
	p0 =	seq.s32 s7, s2  }
0x1e: {  	s7 =	smul.u32 @!p0 $0xF7A, s2;
	p2 =	seq.s32 @!p0 s5, $0x0  }
0x1f: {  	s9 =	smul.u32 $0xF7A, s1;
	s8 =	simm.s32 @!p0 $0x1BF5;
	p2 =	por !p2, p0  }
0x20: {  	[sflag:s8] =	ssyncset.s32 @!p0 $0xFFFFF086;
	s6 =	sadd.s32 @!p0 s3, s7;
	s7 =	simm.s32 @!p0 $0x108  }
0x21: {  	s3 =	sadd.s32 s3, s9;
	s6 =	sadd.s32 @!p0 $0x88, s6;
	s7 =	simm.s32 @p2 $0x1082  }
0x22: {  	[simem:s7], [sflag:s8] =	dma.local @!p0 [hbm:s6], $0xF7A  }
0x23: {  	s9 =	sor.u32 $0xD0000000, s2;
	s6 =	simm.s32 $0x108;
	_ =	swait.ge @!p0 [sflag:s8], $0x0  }
0x24: {  	s3 =	sadd.s32 $0x88, s3;
	s6 =	simm.s32 @!p1 $0x1082;
	[sflag:s4] =	ssyncset.s32 $0xFFFFF086  }
0x25: {  	[simem:s6], [sflag:s4] =	dma.local [hbm:s3], $0xF7A  }
0x26: {  	[smem:$0x3F9E] =	sst s1;
	(tag) =	ssettag s2;
	_ =	strace s9  }
0x27: {  	s1 =	sld [smem:$0x3FAE]  }
0x28: {  	s2 =	sld [smem:$0x3FAF]  }
0x29: {  	s4 =	sld [smem:$0x3FB1]  }
0x2a: {  	p0 =	seq.s32 s5, $0x0;
	s5 =	sld [smem:$0x3FB2]  }
0x2b: {  	s6 =	sld [smem:$0x3FB3]  }
0x2c: {  	s7 =	sld [smem:$0x3FB4]  }
0x2d: {  	s3 =	simm.s32 $0x108;
	s8 =	sld [smem:$0x3FB5]  }
0x2e: {  	s3 =	simm.s32 @!p0 $0x1082;
	s9 =	sld [smem:$0x3FB6]  }
0x2f: {  	lr =	sadd.s32 s0, s3;
	s0 =	sld [smem:$0x3FAD]  }
0x30: {  	s3 =	sld [smem:$0x3FB0]  }
0x31: {  	[smem:$0x3FB9] =	sst s10  }
0x32: {  	s10 =	sld [smem:$0x3FB7];
	_ =	sdelay $0x3  }
0x33: {  	p0 =	seq.s32 s10, $0x1;
	s10 =	sld [smem:$0x3FB9];
	_ =	sdelay $0x3  }
0x34: {  	[smem:$0x3FB9] =	sst s10  }
0x35: {  	s10 =	sld [smem:$0x3FB8];
	_ =	sdelay $0x3  }
0x36: {  	p1 =	seq.s32 s10, $0x1;
	s10 =	sld [smem:$0x3FB9];
	_ =	sdelay $0x3  }
0x37: {  	[smem:$0x3FB9] =	sst s10  }
0x38: {  	s10 =	sld [smem:$0x3FBA]  }
0x39: {  	_ = 	snop;
	(pc) =	sbr.ind lr, $3  }
0x3a: {  	_ = 	snop  }
0x3b: {  	_ = 	snop  }
0x3c: {  	p2 =	seq.s32 s10, $0x1;
	s10 =	sld [smem:$0x3FB9]  }
0x3d: {  	_ =	shalt  }
0x3e: {  	_ =	shalt  }
0x3f: {  	_ =	shalt  }
0x40: {  	_ =	shalt  }
0x41: {  	_ =	shalt  }
0x42: {  	_ =	shalt  }
0x43: {  	_ =	shalt  }
0x44: {  	_ =	shalt  }
0x45: {  	_ =	shalt  }
0x46: {  	_ =	shalt  }
0x47: {  	_ =	shalt  }
0x48: {  	_ =	shalt  }
0x49: {  	_ =	shalt  }
0x4a: {  	_ =	shalt  }
0x4b: {  	_ =	shalt  }
0x4c: {  	_ =	shalt  }
0x4d: {  	_ =	shalt  }
0x4e: {  	_ =	shalt  }
0x4f: {  	_ =	shalt  }
0x50: {  	_ =	shalt  }
0x51: {  	_ =	shalt  }
0x52: {  	_ =	shalt  }
0x53: {  	_ =	shalt  }
0x54: {  	_ =	shalt  }
0x55: {  	_ =	shalt  }
0x56: {  	_ =	shalt  }
0x57: {  	_ =	shalt  }
0x58: {  	_ =	shalt  }
0x59: {  	_ =	shalt  }
0x5a: {  	_ =	shalt  }
0x5b: {  	_ =	shalt  }
0x5c: {  	_ =	shalt  }
0x5d: {  	_ =	shalt  }
0x5e: {  	_ =	shalt  }
0x5f: {  	_ =	shalt  }
0x60: {  	_ =	shalt  }
0x61: {  	_ =	shalt  }
0x62: {  	_ =	shalt  }
0x63: {  	_ =	shalt  }
0x64: {  	_ =	shalt  }
0x65: {  	_ =	shalt  }
0x66: {  	_ =	shalt  }
0x67: {  	_ =	shalt  }
0x68: {  	_ =	shalt  }
0x69: {  	_ =	shalt  }
0x6a: {  	_ =	shalt  }
0x6b: {  	_ =	shalt  }
0x6c: {  	_ =	shalt  }
0x6d: {  	_ =	shalt  }
0x6e: {  	_ =	shalt  }
0x6f: {  	_ =	shalt  }
0x70: {  	_ =	shalt  }
0x71: {  	_ =	shalt  }
0x72: {  	_ =	shalt  }
0x73: {  	_ =	shalt  }
0x74: {  	_ =	shalt  }
0x75: {  	_ =	shalt  }
0x76: {  	_ =	shalt  }
0x77: {  	_ =	shalt  }
0x78: {  	_ =	shalt  }
0x79: {  	_ =	shalt  }
0x7a: {  	_ =	shalt  }
0x7b: {  	_ =	shalt  }
0x7c: {  	_ =	shalt  }
0x7d: {  	_ =	shalt  }
0x7e: {  	_ =	shalt  }
0x7f: {  	_ =	shalt  }
0x80: {  	_ =	shalt  }
0x81: {  	_ =	shalt  }
0x82: {  	_ =	shalt  }
0x83: {  	_ =	shalt  }
0x84: {  	_ =	shalt  }
0x85: {  	_ =	shalt  }
0x86: {  	_ =	shalt  }
0x87: {  	_ =	shalt  }
.Lfunc_end0:
.L_simem_size_0:
called_computation.2_lowered:
.L_overlay_start_0:
0x88: {  	s2 =	sld [smem:$0x3FD9]  }
0x89: {  	s3 =	sld [smem:$0x3FFE];
	_ =	sdelay $0x1  }
0x8a: {  	s1 =	srdreg.scid  }
0x8b: {  	s0 =	sand.u32 $0x1, s1  }
0x8c: {  	s17 =	sshll.u32 s0, $0xA;
	s2 =	sadd.s32 s3, s2  }
0x8d: {  	s2 =	sadd.s32 s2, s17  }
0x8e: {  	[smem:$0x3FC5] =	sst s2  }
0x8f: {  	_ = 	snop  }
0x90: {  	s2 =	sld [smem:$0x3FD0];
	(tm) =	ssettm $0x1  }
0x91: {  	s18 =	sld [smem:$0x3FFB];
	_ =	sdelay $0x3  }
0x92: {  	_ =	strace s18  }
0x93: {  	s3 =	sld [smem:$0x3FFC];
	_ =	sdelay $0x3  }
0x94: {  	_ =	strace s3  }
0x95: {  	s3 =	sld [smem:$0x3FFD];
	_ =	sdelay $0x3  }
0x96: {  	_ =	strace s3  }
0x97: {  	_ =	strace $0x8FFFFFFF  }
0x98: {  	s19 =	sld [smem:$0x3FDB];
	_ =	sdelay $0x1  }
0x99: {  	s4 =	simm.s32 $_scs_section_size  }
0x9a: {  	s5 =	simm.s32 $_size__tile_overlayer_lowered;
	s6 =	simm.s32 $_tile_overlayer_lowered  }
0x9b: {  	s22 =	simm.s32 $0x1BFF;
	s21 =	sshll.u32 s6, $0x1;
	s3 =	sadd.s32 s4, s19  }
0x9c: {  	s7 =	simm.s32 $0x0;
	s20 =	sshll.u32 s5, $0x1;
	s5 =	sadd.s32 s21, s3  }
0x9d: {  	[timem:s7], [sflag:s22] =	dma.local [hbm:s5], s20  }
0x9e: {  	_ =	swait.ge [sflag:s22], s20  }
0x9f: {  	s4 =	ssub.s32 $0x0, s20;
	[sflag:s22] =	ssyncset.done $0x0  }
0xa0: {  	[sflag:s22] =	ssyncadd.s32 s4;
	_ =	sdelay $0x1  }
0xa1: {  	s23 =	simm.s32 $0x1B8B  }
0xa2: {  	_ =	swait.ge [sflag:s23], $0x1  }
0xa3: {  	[sflag:s23] =	ssyncset.done $0x0  }
0xa4: {  	s25 =	simm.s32 $0x1B8E;
	s24 =	sld [smem:$0x3FFE];
	[sflag:s23] =	ssyncadd.s32 $0xFFFFFFFF  }
0xa5: {  	s26 =	simm.s32 $execute0_lowered;
	[smem:$0x3FD2] =	sst s25  }
0xa6: {  	s5 =	sshll.u32 s26, $0x1;
	_ =	strace $0x8000004C;
	[dreg:$0x1] =	wrdreg $0xFFFFFFFF  }
0xa7: {  	s28 =	simm.s32 $_size_execute0_lowered;
	s3 =	sadd.s32 s3, s5;
	[dreg:$0x0] =	wrdreg $0x0  }
0xa8: {  	s5 =	sshll.u32 s28, $0x1;
	[dreg:$0x2] =	wrdreg s3  }
0xa9: {  	[dreg:$0x3] =	wrdreg s5  }
0xaa: {  	[dreg:$0x4] =	wrdreg $0xC0  }
0xab: {  	_ =	task [dreg:s7], $0x5FFFF  }
0xac: {  	[dreg:$0x1] =	wrdreg $0xFFFFFFFF  }
0xad: {  	[dreg:$0x0] =	wrdreg $0x60  }
0xae: {  	[dreg:$0x2] =	wrdreg s24  }
0xaf: {  	[dreg:$0x3] =	wrdreg s2  }
0xb0: {  	[dreg:$0x4] =	wrdreg $0x9  }
0xb1: {  	_ =	task.clear_ibuf [dreg:s7], $0x5FFFF;
	_ =	strace $0x9000004C  }
0xb2: {  	s29 =	simm.s32 $0x9;
	_ =	strace $0x8000004E  }
0xb3: {  	_ =	swait.ge [sflag:s29], $0x1  }
0xb4: {  	[sflag:s29] =	ssyncadd.s32 $0xFFFFFFFF  }
0xb5: {  	_ =	strace $0x9000004E  }
0xb6: {  	_ =	sfence  }
0xb7: {  	s30 =	sld [smem:$0x0];
	_ =	sdelay $0x2  }
0xb8: {  	s31 =	sshll.u32 s1, $0xD;
	s1 =	sshrl.u32 s1, $0x2  }
0xb9: {  	s3 =	sand.u32 $0x4000, s31;
	s1 =	sadd.s32 s1, s30  }
0xba: {  	s0 =	sor.u32 s3, s0;
	s1 =	sshll.u32 s1, $0x11  }
0xbb: {  	s0 =	sor.u32 s1, s0  }
0xbc: {  	s0 =	sadd.s32 $0x8F2B, s0  }
0xbd: {  	[sflag:s0] =	ssyncadd.remote.s32 $0x1  }
0xbe: {  	_ =	sfence.sel $0xFFFF  }
0xbf: {  	[dreg:$0x0] =	wrdreg $0xFFFFFFFF;
	(pc) =	sbr.abs _section_cstart, $3  }
0xc0: {  	[dreg:$0x1] =	wrdreg $0xFFFFFFFF  }
0xc1: {  	_ =	task.clear_ibuf [dreg:s7], $0x2FFFF;
	_ =	strace $0x9FFFFFFF  }
0xc2: {  	(tm) =	ssettm $0x7FFFFFFF  }
0xc3: {  	_ =	shalt  }
tec
execute0_lowered:
.L_overlay_start_1:
0x0: {  	(tag) =	ssettag $0x1  }
0x1: {  	s0 =	rddreg [dreg:$0x0]  }
0x2: {  	s12 =	rddreg [dreg:$0x1]  }
0x3: {  	s2 =	srdreg.scid;
	s1 =	stileid.u32  }
0x4: {  	s28 =	simm.s32 $0x6080;
	s29 =	simm.s32 $0x6880;
	s30 =	simm.s32 $0x7080  }
0x5: {  	s31 =	simm.s32 $0x7880;
	s3 =	sand.u32 $0x1, s2;
	s2 =	simm.s32 $0x0  }
0x6: {  	s4 =	sshll.u32 s1, $0x7;
	s13 =	sadd.s32 $0x10200, s0;
	s7 =	sadd.s32 $0x10800, s0  }
0x7: {  	s8 =	sadd.s32 $0x10900, s0;
	s9 =	sadd.s32 $0x10A00, s0;
	s5 =	sshll.u32 s3, $0x6  }
0x8: {  	[smem:$0x7FF] =	sst s2;
	s14 =	ssub.s32 $0x2, s3;
	s3 =	sadd.s32 $0x10400, s0  }
0x9: {  	s11 =	sor.u32 s5, s4;
	_ =	strace $0x8000004D;
	s16 =	sshrl.u32 s14, $0x1  }
0xa: {  	s4 =	sadd.s32 $0x10500, s0;
	s5 =	sadd.s32 $0x10600, s0;
	s15 =	sshrl.u32 s11, $0x3  }
0xb: {  	s14 =	ssub.s32 s14, s16;
	s10 =	sshll.u32 s11, $0x8;
	s16 =	sor.u32 $0x10, s11  }
0xc: {  	s19 =	sor.u32 $0x20, s11;
	s11 =	sor.u32 $0x30, s11;
	s6 =	sadd.s32 s13, s15  }
0xd: {  	s15 =	sadd.s32 s12, s10;
	s10 =	sadd.s32 $0x10B00, s0;
	s17 =	sshrl.u32 s16, $0x3  }
0xe: {  	s18 =	sshll.u32 s16, $0x8;
	s21 =	sshrl.u32 s19, $0x3;
	s23 =	sshll.u32 s19, $0x8  }
0xf: {  	s25 =	sshrl.u32 s11, $0x3;
	s26 =	sshll.u32 s11, $0x8;
	s16 =	simm.s32 $0x880  }
0x10: {  	s19 =	simm.s32 $0x2080;
	[dreg:$0x3] =	wrdreg s6;
	s6 =	sadd.s32 $0x10700, s0  }
0x11: {  	[dreg:$0x4] =	wrdreg s15;
	s0 =	sadd.s32 s13, s17;
	s20 =	sadd.s32 s12, s18  }
0x12: {  	s22 =	sadd.s32 s13, s21;
	s24 =	sadd.s32 s12, s23;
	s11 =	sadd.s32 s13, s25  }
0x13: {  	s12 =	sadd.s32 s12, s26;
	s13 =	smax.u32 s14, $0x1;
	s14 =	simm.s32 $0x2  }
0x14: {  	s15 =	simm.s32 $0x80;
	s17 =	simm.s32 $0x1080;
	[dreg:$0x5] =	wrdreg s0  }
0x15: {  	s18 =	simm.s32 $0x1880;
	s21 =	simm.s32 $0x3080;
	[dreg:$0x6] =	wrdreg s20  }
0x16: {  	v2 =	vlaneseq.u32;
	s23 =	simm.s32 $0x4080;
	s25 =	simm.s32 $0x5080;
	[dreg:$0x7] =	wrdreg s22  }
0x17: {  	vm0 =	vmmov $0xffff;
	v1 =	vshrl.u32 v2, $0x3;
	s26 =	simm.s32 $0x5880;
	[dreg:$0x8] =	wrdreg s24;
	s20 =	simm.s32 $0x2880  }
0x18: {  	v0 =	vand.u32 $0x7, v2;
	v2 =	vor.u32 $0x8, v2;
	v1 =	vmul.u32 $0x8, v1;
	s22 =	simm.s32 $0x3880;
	s24 =	simm.s32 $0x4880;
	s0 =	simm.s32 $0x1  }
.LBB2_1:
0x19: {  	s1 =	rddreg [dreg:$0x3]  }
0x1a: {  	[tilespmem:s2], [sflag:$0x2] =	stream.linear.gather [hbm4b:s1+s2], $0x10, $0x38;
	[tilespmem:$0x8080] =	vst v63  }
0x1b: {  	_ =	swait.ge [sflag:s14], $0x10  }
0x1c: {  	[sflag:s14] =	ssyncset.done $0x0  }
0x1d: {  	[sflag:s14] =	ssyncadd.s32 $0xFFFFFFF0  }
0x1e: {  	v3 =	vld [tilespmem:$0x0];
	_ =	sdelay $0x4  }
0x1f: {  	v4 =	vshll.u32 v3, $0x4  }
0x20: {  	v3 =	vand.u32 $0x7, v3;
	v4 =	vand.u32 $0xFFFFFF80, v4  }
0x21: {  	v3 =	vor.u32 v3, v4  }
0x22: {  	v4 =	vperm.xlane v3, v0;
	_ =	sdelay $0x1  }
0x23: {  	v4 =	vadd.s32 v1, v4;
	_ =	sdelay $0x4  }
0x24: {  	[tilespmem:s15], [sflag:$0x1] =	stream.indirect_vreg.gather [hbm4b:s3+s2], $0x80, v4, vm0, $0xb8;
	[tilespmem:$0x8080] =	vst v63  }
0x25: {  	_ = 	snop  }
0x26: {  	[tilespmem:s16], [sflag:$0x1] =	stream.indirect_vreg.gather [hbm4b:s4+s2], $0x80, v4, vm0, $0xb8;
	[tilespmem:$0x8080] =	vst v63  }
0x27: {  	_ = 	snop  }
0x28: {  	[tilespmem:s17], [sflag:$0x1] =	stream.indirect_vreg.gather [hbm4b:s5+s2], $0x80, v4, vm0, $0xb8;
	[tilespmem:$0x8080] =	vst v63  }
0x29: {  	_ = 	snop  }
0x2a: {  	[tilespmem:s18], [sflag:$0x1] =	stream.indirect_vreg.gather [hbm4b:s6+s2], $0x80, v4, vm0, $0xb8;
	[tilespmem:$0x8080] =	vst v63  }
0x2b: {  	_ = 	snop  }
0x2c: {  	[tilespmem:s19], [sflag:$0x1] =	stream.indirect_vreg.gather [hbm4b:s7+s2], $0x80, v4, vm0, $0xb8;
	[tilespmem:$0x8080] =	vst v63  }
0x2d: {  	v3 =	vperm.xlane v3, v2  }
0x2e: {  	[tilespmem:s20], [sflag:$0x1] =	stream.indirect_vreg.gather [hbm4b:s8+s2], $0x80, v4, vm0, $0xb8;
	[tilespmem:$0x8080] =	vst v63  }
0x2f: {  	v3 =	vadd.s32 v1, v3  }
0x30: {  	[tilespmem:s21], [sflag:$0x1] =	stream.indirect_vreg.gather [hbm4b:s9+s2], $0x80, v4, vm0, $0xb8;
	[tilespmem:$0x8080] =	vst v63  }
0x31: {  	_ = 	snop  }
0x32: {  	[tilespmem:s22], [sflag:$0x1] =	stream.indirect_vreg.gather [hbm4b:s10+s2], $0x80, v4, vm0, $0xb8;
	[tilespmem:$0x8080] =	vst v63  }
0x33: {  	_ = 	snop  }
0x34: {  	[tilespmem:s23], [sflag:$0x1] =	stream.indirect_vreg.gather [hbm4b:s3+s2], $0x80, v3, vm0, $0xb8;
	[tilespmem:$0x8080] =	vst v63  }
0x35: {  	_ = 	snop  }
0x36: {  	[tilespmem:s24], [sflag:$0x1] =	stream.indirect_vreg.gather [hbm4b:s4+s2], $0x80, v3, vm0, $0xb8;
	[tilespmem:$0x8080] =	vst v63  }
0x37: {  	_ = 	snop  }
0x38: {  	[tilespmem:s25], [sflag:$0x1] =	stream.indirect_vreg.gather [hbm4b:s5+s2], $0x80, v3, vm0, $0xb8;
	[tilespmem:$0x8080] =	vst v63  }
0x39: {  	_ = 	snop  }
0x3a: {  	[tilespmem:s26], [sflag:$0x1] =	stream.indirect_vreg.gather [hbm4b:s6+s2], $0x80, v3, vm0, $0xb8;
	[tilespmem:$0x8080] =	vst v63  }
0x3b: {  	_ = 	snop  }
0x3c: {  	[tilespmem:s28], [sflag:$0x1] =	stream.indirect_vreg.gather [hbm4b:s7+s2], $0x80, v3, vm0, $0xb8;
	[tilespmem:$0x8080] =	vst v63  }
0x3d: {  	_ = 	snop  }
0x3e: {  	[tilespmem:s29], [sflag:$0x1] =	stream.indirect_vreg.gather [hbm4b:s8+s2], $0x80, v3, vm0, $0xb8;
	[tilespmem:$0x8080] =	vst v63  }
0x3f: {  	_ = 	snop  }
0x40: {  	[tilespmem:s30], [sflag:$0x1] =	stream.indirect_vreg.gather [hbm4b:s9+s2], $0x80, v3, vm0, $0xb8;
	[tilespmem:$0x8080] =	vst v63  }
0x41: {  	_ = 	snop  }
0x42: {  	[tilespmem:s31], [sflag:$0x1] =	stream.indirect_vreg.gather [hbm4b:s10+s2], $0x80, v3, vm0, $0xb8;
	[tilespmem:$0x8080] =	vst v63  }
0x43: {  	_ =	swait.ge [sflag:s0], $0x8000  }
0x44: {  	[sflag:s0] =	ssyncset.done $0x0  }
0x45: {  	s1 =	rddreg [dreg:$0x4];
	[sflag:s0] =	ssyncadd.s32 $0xFFFF8000  }
0x46: {  	[hbm4b:s1+s2] =	stream.linear.scatter [tilespmem:s15], [sflag:$0x2], $0x8000, $0x38;
	[tilespmem:$0x8080] =	vst v63  }
0x47: {  	_ =	swait.ge [sflag:s14], $0x8000  }
0x48: {  	[sflag:s14] =	ssyncset.done $0x0  }
0x49: {  	s1 =	rddreg [dreg:$0x5];
	[sflag:s14] =	ssyncadd.s32 $0xFFFF8000  }
0x4a: {  	[tilespmem:s2], [sflag:$0x2] =	stream.linear.gather [hbm4b:s1+s2], $0x10, $0x38;
	[tilespmem:$0x8080] =	vst v63  }
0x4b: {  	_ =	swait.ge [sflag:s14], $0x10  }
0x4c: {  	[sflag:s14] =	ssyncset.done $0x0  }
0x4d: {  	[sflag:s14] =	ssyncadd.s32 $0xFFFFFFF0  }
0x4e: {  	v3 =	vld [tilespmem:$0x0];
	_ =	sdelay $0x4  }
0x4f: {  	v61 =	vshll.u32 v3, $0x4  }
0x50: {  	v3 =	vand.u32 $0x7, v3;
	v4 =	vand.u32 $0xFFFFFF80, v61  }
0x51: {  	v3 =	vor.u32 v3, v4  }
0x52: {  	v4 =	vperm.xlane v3, v0;
	_ =	sdelay $0x1  }
0x53: {  	v4 =	vadd.s32 v1, v4;
	_ =	sdelay $0x4  }
0x54: {  	[tilespmem:s15], [sflag:$0x1] =	stream.indirect_vreg.gather [hbm4b:s3+s2], $0x80, v4, vm0, $0xb8;
	[tilespmem:$0x8080] =	vst v63  }
0x55: {  	_ = 	snop  }
0x56: {  	[tilespmem:s16], [sflag:$0x1] =	stream.indirect_vreg.gather [hbm4b:s4+s2], $0x80, v4, vm0, $0xb8;
	[tilespmem:$0x8080] =	vst v63  }
0x57: {  	_ = 	snop  }
0x58: {  	[tilespmem:s17], [sflag:$0x1] =	stream.indirect_vreg.gather [hbm4b:s5+s2], $0x80, v4, vm0, $0xb8;
	[tilespmem:$0x8080] =	vst v63  }
0x59: {  	_ = 	snop  }
0x5a: {  	[tilespmem:s18], [sflag:$0x1] =	stream.indirect_vreg.gather [hbm4b:s6+s2], $0x80, v4, vm0, $0xb8;
	[tilespmem:$0x8080] =	vst v63  }
0x5b: {  	_ = 	snop  }
0x5c: {  	[tilespmem:s19], [sflag:$0x1] =	stream.indirect_vreg.gather [hbm4b:s7+s2], $0x80, v4, vm0, $0xb8;
	[tilespmem:$0x8080] =	vst v63  }
0x5d: {  	v3 =	vperm.xlane v3, v2  }
0x5e: {  	[tilespmem:s20], [sflag:$0x1] =	stream.indirect_vreg.gather [hbm4b:s8+s2], $0x80, v4, vm0, $0xb8;
	[tilespmem:$0x8080] =	vst v63  }
0x5f: {  	v3 =	vadd.s32 v1, v3  }
0x60: {  	[tilespmem:s21], [sflag:$0x1] =	stream.indirect_vreg.gather [hbm4b:s9+s2], $0x80, v4, vm0, $0xb8;
	[tilespmem:$0x8080] =	vst v63  }
0x61: {  	_ = 	snop  }
0x62: {  	[tilespmem:s22], [sflag:$0x1] =	stream.indirect_vreg.gather [hbm4b:s10+s2], $0x80, v4, vm0, $0xb8;
	[tilespmem:$0x8080] =	vst v63  }
0x63: {  	_ = 	snop  }
0x64: {  	[tilespmem:s23], [sflag:$0x1] =	stream.indirect_vreg.gather [hbm4b:s3+s2], $0x80, v3, vm0, $0xb8;
	[tilespmem:$0x8080] =	vst v63  }
0x65: {  	_ = 	snop  }
0x66: {  	[tilespmem:s24], [sflag:$0x1] =	stream.indirect_vreg.gather [hbm4b:s4+s2], $0x80, v3, vm0, $0xb8;
	[tilespmem:$0x8080] =	vst v63  }
0x67: {  	_ = 	snop  }
0x68: {  	[tilespmem:s25], [sflag:$0x1] =	stream.indirect_vreg.gather [hbm4b:s5+s2], $0x80, v3, vm0, $0xb8;
	[tilespmem:$0x8080] =	vst v63  }
0x69: {  	_ = 	snop  }
0x6a: {  	[tilespmem:s26], [sflag:$0x1] =	stream.indirect_vreg.gather [hbm4b:s6+s2], $0x80, v3, vm0, $0xb8;
	[tilespmem:$0x8080] =	vst v63  }
0x6b: {  	_ = 	snop  }
0x6c: {  	[tilespmem:s28], [sflag:$0x1] =	stream.indirect_vreg.gather [hbm4b:s7+s2], $0x80, v3, vm0, $0xb8;
	[tilespmem:$0x8080] =	vst v63  }
0x6d: {  	_ = 	snop  }
0x6e: {  	[tilespmem:s29], [sflag:$0x1] =	stream.indirect_vreg.gather [hbm4b:s8+s2], $0x80, v3, vm0, $0xb8;
	[tilespmem:$0x8080] =	vst v63  }
0x6f: {  	_ = 	snop  }
0x70: {  	[tilespmem:s30], [sflag:$0x1] =	stream.indirect_vreg.gather [hbm4b:s9+s2], $0x80, v3, vm0, $0xb8;
	[tilespmem:$0x8080] =	vst v63  }
0x71: {  	_ = 	snop  }
0x72: {  	[tilespmem:s31], [sflag:$0x1] =	stream.indirect_vreg.gather [hbm4b:s10+s2], $0x80, v3, vm0, $0xb8;
	[tilespmem:$0x8080] =	vst v63  }
0x73: {  	_ =	swait.ge [sflag:s0], $0x8000  }
0x74: {  	[sflag:s0] =	ssyncset.done $0x0  }
0x75: {  	s1 =	rddreg [dreg:$0x6];
	[sflag:s0] =	ssyncadd.s32 $0xFFFF8000  }
0x76: {  	[hbm4b:s1+s2] =	stream.linear.scatter [tilespmem:s15], [sflag:$0x2], $0x8000, $0x38;
	[tilespmem:$0x8080] =	vst v63  }
0x77: {  	_ =	swait.ge [sflag:s14], $0x8000  }
0x78: {  	[sflag:s14] =	ssyncset.done $0x0  }
0x79: {  	s1 =	rddreg [dreg:$0x7];
	[sflag:s14] =	ssyncadd.s32 $0xFFFF8000  }
0x7a: {  	[tilespmem:s2], [sflag:$0x2] =	stream.linear.gather [hbm4b:s1+s2], $0x10, $0x38;
	[tilespmem:$0x8080] =	vst v63  }
0x7b: {  	_ =	swait.ge [sflag:s14], $0x10  }
0x7c: {  	[sflag:s14] =	ssyncset.done $0x0  }
0x7d: {  	[sflag:s14] =	ssyncadd.s32 $0xFFFFFFF0  }
0x7e: {  	v3 =	vld [tilespmem:$0x0];
	_ =	sdelay $0x4  }
0x7f: {  	v62 =	vshll.u32 v3, $0x4  }
0x80: {  	v3 =	vand.u32 $0x7, v3;
	v4 =	vand.u32 $0xFFFFFF80, v62  }
0x81: {  	v3 =	vor.u32 v3, v4  }
0x82: {  	v4 =	vperm.xlane v3, v0;
	_ =	sdelay $0x1  }
0x83: {  	v4 =	vadd.s32 v1, v4;
	_ =	sdelay $0x4  }
0x84: {  	[tilespmem:s15], [sflag:$0x1] =	stream.indirect_vreg.gather [hbm4b:s3+s2], $0x80, v4, vm0, $0xb8;
	[tilespmem:$0x8080] =	vst v63  }
0x85: {  	_ = 	snop  }
0x86: {  	[tilespmem:s16], [sflag:$0x1] =	stream.indirect_vreg.gather [hbm4b:s4+s2], $0x80, v4, vm0, $0xb8;
	[tilespmem:$0x8080] =	vst v63  }
0x87: {  	_ = 	snop  }
0x88: {  	[tilespmem:s17], [sflag:$0x1] =	stream.indirect_vreg.gather [hbm4b:s5+s2], $0x80, v4, vm0, $0xb8;
	[tilespmem:$0x8080] =	vst v63  }
0x89: {  	_ = 	snop  }
0x8a: {  	[tilespmem:s18], [sflag:$0x1] =	stream.indirect_vreg.gather [hbm4b:s6+s2], $0x80, v4, vm0, $0xb8;
	[tilespmem:$0x8080] =	vst v63  }
0x8b: {  	_ = 	snop  }
0x8c: {  	[tilespmem:s19], [sflag:$0x1] =	stream.indirect_vreg.gather [hbm4b:s7+s2], $0x80, v4, vm0, $0xb8;
	[tilespmem:$0x8080] =	vst v63  }
0x8d: {  	v3 =	vperm.xlane v3, v2  }
0x8e: {  	[tilespmem:s20], [sflag:$0x1] =	stream.indirect_vreg.gather [hbm4b:s8+s2], $0x80, v4, vm0, $0xb8;
	[tilespmem:$0x8080] =	vst v63  }
0x8f: {  	v3 =	vadd.s32 v1, v3  }
0x90: {  	[tilespmem:s21], [sflag:$0x1] =	stream.indirect_vreg.gather [hbm4b:s9+s2], $0x80, v4, vm0, $0xb8;
	[tilespmem:$0x8080] =	vst v63  }
0x91: {  	_ = 	snop  }
0x92: {  	[tilespmem:s22], [sflag:$0x1] =	stream.indirect_vreg.gather [hbm4b:s10+s2], $0x80, v4, vm0, $0xb8;
	[tilespmem:$0x8080] =	vst v63  }
0x93: {  	_ = 	snop  }
0x94: {  	[tilespmem:s23], [sflag:$0x1] =	stream.indirect_vreg.gather [hbm4b:s3+s2], $0x80, v3, vm0, $0xb8;
	[tilespmem:$0x8080] =	vst v63  }
0x95: {  	_ = 	snop  }
0x96: {  	[tilespmem:s24], [sflag:$0x1] =	stream.indirect_vreg.gather [hbm4b:s4+s2], $0x80, v3, vm0, $0xb8;
	[tilespmem:$0x8080] =	vst v63  }
0x97: {  	_ = 	snop  }
0x98: {  	[tilespmem:s25], [sflag:$0x1] =	stream.indirect_vreg.gather [hbm4b:s5+s2], $0x80, v3, vm0, $0xb8;
	[tilespmem:$0x8080] =	vst v63  }
0x99: {  	_ = 	snop  }
0x9a: {  	[tilespmem:s26], [sflag:$0x1] =	stream.indirect_vreg.gather [hbm4b:s6+s2], $0x80, v3, vm0, $0xb8;
	[tilespmem:$0x8080] =	vst v63  }
0x9b: {  	_ = 	snop  }
0x9c: {  	[tilespmem:s28], [sflag:$0x1] =	stream.indirect_vreg.gather [hbm4b:s7+s2], $0x80, v3, vm0, $0xb8;
	[tilespmem:$0x8080] =	vst v63  }
0x9d: {  	_ = 	snop  }
0x9e: {  	[tilespmem:s29], [sflag:$0x1] =	stream.indirect_vreg.gather [hbm4b:s8+s2], $0x80, v3, vm0, $0xb8;
	[tilespmem:$0x8080] =	vst v63  }
0x9f: {  	_ = 	snop  }
0xa0: {  	[tilespmem:s30], [sflag:$0x1] =	stream.indirect_vreg.gather [hbm4b:s9+s2], $0x80, v3, vm0, $0xb8;
	[tilespmem:$0x8080] =	vst v63  }
0xa1: {  	_ = 	snop  }
0xa2: {  	[tilespmem:s31], [sflag:$0x1] =	stream.indirect_vreg.gather [hbm4b:s10+s2], $0x80, v3, vm0, $0xb8;
	[tilespmem:$0x8080] =	vst v63  }
0xa3: {  	_ =	swait.ge [sflag:s0], $0x8000  }
0xa4: {  	[sflag:s0] =	ssyncset.done $0x0  }
0xa5: {  	s1 =	rddreg [dreg:$0x8];
	[sflag:s0] =	ssyncadd.s32 $0xFFFF8000  }
0xa6: {  	[hbm4b:s1+s2] =	stream.linear.scatter [tilespmem:s15], [sflag:$0x2], $0x8000, $0x38;
	[tilespmem:$0x8080] =	vst v63  }
0xa7: {  	_ =	swait.ge [sflag:s14], $0x8000  }
0xa8: {  	[sflag:s14] =	ssyncset.done $0x0  }
0xa9: {  	[sflag:s14] =	ssyncadd.s32 $0xFFFF8000  }
0xaa: {  	[tilespmem:s2], [sflag:$0x2] =	stream.linear.gather [hbm4b:s11+s2], $0x10, $0x38;
	[tilespmem:$0x8080] =	vst v63  }
0xab: {  	_ =	swait.ge [sflag:s14], $0x10  }
0xac: {  	[sflag:s14] =	ssyncset.done $0x0  }
0xad: {  	[sflag:s14] =	ssyncadd.s32 $0xFFFFFFF0  }
0xae: {  	v3 =	vld [tilespmem:$0x0];
	_ =	sdelay $0x4  }
0xaf: {  	v63 =	vshll.u32 v3, $0x4  }
0xb0: {  	v3 =	vand.u32 $0x7, v3;
	v4 =	vand.u32 $0xFFFFFF80, v63  }
0xb1: {  	v3 =	vor.u32 v3, v4  }
0xb2: {  	v4 =	vperm.xlane v3, v0;
	_ =	sdelay $0x1  }
0xb3: {  	v4 =	vadd.s32 v1, v4;
	_ =	sdelay $0x4  }
0xb4: {  	[tilespmem:s15], [sflag:$0x1] =	stream.indirect_vreg.gather [hbm4b:s3+s2], $0x80, v4, vm0, $0xb8;
	[tilespmem:$0x8080] =	vst v63  }
0xb5: {  	_ = 	snop  }
0xb6: {  	[tilespmem:s16], [sflag:$0x1] =	stream.indirect_vreg.gather [hbm4b:s4+s2], $0x80, v4, vm0, $0xb8;
	[tilespmem:$0x8080] =	vst v63  }
0xb7: {  	_ = 	snop  }
0xb8: {  	[tilespmem:s17], [sflag:$0x1] =	stream.indirect_vreg.gather [hbm4b:s5+s2], $0x80, v4, vm0, $0xb8;
	[tilespmem:$0x8080] =	vst v63  }
0xb9: {  	_ = 	snop  }
0xba: {  	[tilespmem:s18], [sflag:$0x1] =	stream.indirect_vreg.gather [hbm4b:s6+s2], $0x80, v4, vm0, $0xb8;
	[tilespmem:$0x8080] =	vst v63  }
0xbb: {  	_ = 	snop  }
0xbc: {  	[tilespmem:s19], [sflag:$0x1] =	stream.indirect_vreg.gather [hbm4b:s7+s2], $0x80, v4, vm0, $0xb8;
	[tilespmem:$0x8080] =	vst v63  }
0xbd: {  	v3 =	vperm.xlane v3, v2  }
0xbe: {  	[tilespmem:s20], [sflag:$0x1] =	stream.indirect_vreg.gather [hbm4b:s8+s2], $0x80, v4, vm0, $0xb8;
	[tilespmem:$0x8080] =	vst v63  }
0xbf: {  	v3 =	vadd.s32 v1, v3  }
0xc0: {  	[tilespmem:s21], [sflag:$0x1] =	stream.indirect_vreg.gather [hbm4b:s9+s2], $0x80, v4, vm0, $0xb8;
	[tilespmem:$0x8080] =	vst v63  }
0xc1: {  	_ = 	snop  }
0xc2: {  	[tilespmem:s22], [sflag:$0x1] =	stream.indirect_vreg.gather [hbm4b:s10+s2], $0x80, v4, vm0, $0xb8;
	[tilespmem:$0x8080] =	vst v63  }
0xc3: {  	_ = 	snop  }
0xc4: {  	[tilespmem:s23], [sflag:$0x1] =	stream.indirect_vreg.gather [hbm4b:s3+s2], $0x80, v3, vm0, $0xb8;
	[tilespmem:$0x8080] =	vst v63  }
0xc5: {  	_ = 	snop  }
0xc6: {  	[tilespmem:s24], [sflag:$0x1] =	stream.indirect_vreg.gather [hbm4b:s4+s2], $0x80, v3, vm0, $0xb8;
	[tilespmem:$0x8080] =	vst v63  }
0xc7: {  	_ = 	snop  }
0xc8: {  	[tilespmem:s25], [sflag:$0x1] =	stream.indirect_vreg.gather [hbm4b:s5+s2], $0x80, v3, vm0, $0xb8;
	[tilespmem:$0x8080] =	vst v63  }
0xc9: {  	_ = 	snop  }
0xca: {  	[tilespmem:s26], [sflag:$0x1] =	stream.indirect_vreg.gather [hbm4b:s6+s2], $0x80, v3, vm0, $0xb8;
	[tilespmem:$0x8080] =	vst v63  }
0xcb: {  	_ = 	snop  }
0xcc: {  	[tilespmem:s28], [sflag:$0x1] =	stream.indirect_vreg.gather [hbm4b:s7+s2], $0x80, v3, vm0, $0xb8;
	[tilespmem:$0x8080] =	vst v63  }
0xcd: {  	_ = 	snop  }
0xce: {  	[tilespmem:s29], [sflag:$0x1] =	stream.indirect_vreg.gather [hbm4b:s8+s2], $0x80, v3, vm0, $0xb8;
	[tilespmem:$0x8080] =	vst v63  }
0xcf: {  	_ = 	snop  }
0xd0: {  	[tilespmem:s30], [sflag:$0x1] =	stream.indirect_vreg.gather [hbm4b:s9+s2], $0x80, v3, vm0, $0xb8;
	[tilespmem:$0x8080] =	vst v63  }
0xd1: {  	_ = 	snop  }
0xd2: {  	[tilespmem:s31], [sflag:$0x1] =	stream.indirect_vreg.gather [hbm4b:s10+s2], $0x80, v3, vm0, $0xb8;
	[tilespmem:$0x8080] =	vst v63  }
0xd3: {  	_ =	swait.ge [sflag:s0], $0x8000  }
0xd4: {  	p0 =	sne.s32 s13, $0x1;
	[sflag:s0] =	ssyncset.done $0x0  }
.Ltmp0:
0xd5: {  	[sflag:s0] =	ssyncadd.s32 $0xFFFF8000;
	(pc) =	sbr.rel @p0 .LBB2_1-.Ltmp0, $4  }
0xd6: {  	[hbm4b:s12+s2] =	stream.linear.scatter [tilespmem:s15], [sflag:$0x2], $0x8000, $0x38;
	[tilespmem:$0x8080] =	vst v63  }
0xd7: {  	_ =	swait.ge [sflag:s14], $0x8000  }
0xd8: {  	[sflag:s14] =	ssyncset.done $0x0  }
0xd9: {  	s13 =	sadd.s32 $0xFFFFFFFF, s13;
	[sflag:s14] =	ssyncadd.s32 $0xFFFF8000  }
0xda: {  	_ =	sfence.sel $0x180000  }
0xdb: {  	[bflag:$0x0] =	sbarrier.arrive $0xFFFF  }
0xdc: {  	_ =	strace $0x9000004D  }
0xdd: {  	s0 =	stileid.u32;
	[bflag:$0x2] =	sbarrier.arrive $0xFFFF  }
0xde: {  	p0 =	sne.s32 s0, $0x0;
	s0 =	rddreg [dreg:$0x2]  }
0xdf: {  	s0 =	sadd.s32 @!p0 $0x100000, s0  }
0xe0: {  	[sflag:s0] =	ssyncadd.tile.s32 @!p0 $0x1;
	_ =	shalt  }
.Lfunc_end2:
_tile_overlayer_lowered:
.L_overlay_start_2:
0xe1: {  	(tag) =	ssettag $0x2  }
0xe2: {  	s0 =	rddreg [dreg:$0x0];
	s2 =	stileid.u32  }
0xe3: {  	s1 =	rddreg [dreg:$0x1];
	p0 =	sne.s32 s2, $0x0  }
0xe4: {  	s3 =	rddreg [dreg:$0x2];
	[bflag:$0x3] =	sbarrier.arrive $0xFFFF;
	s2 =	simm.s32 @!p0 $0x1C02  }
0xe5: {  	[timem:s3], [sflag:s2] =	dma.local @!p0 [hbm:s0], s1  }
0xe6: {  	s0 =	simm.s32 @!p0 $0x2  }
0xe7: {  	_ =	swait.ge @!p0 [sflag:s0], s1  }
0xe8: {  	s1 =	ssub.s32 @!p0 $0x0, s1;
	[sflag:s0] =	ssyncset.done @!p0 $0x0  }
0xe9: {  	[sflag:s0] =	ssyncadd.s32 @!p0 s1  }
0xea: {  	[bflag:$0x3] =	sbarrier.arrive $0xFFFF  }
0xeb: {  	_ =	shalt  }

</sc_bundles>
